<compile_context>
chip_gen: v7x
topology: tpu7x:2x2x1
jax: 0.10.2.dev20260603
libtpu: 0.0.44.dev20260713+nightly
codegen_flags: <defaults>
</compile_context>

<pallas_src>
import jax
import jax.numpy as jnp
from jax import lax
from jax.experimental import pallas as pl
from jax.experimental.pallas import tpu as pltpu
from jax.experimental.pallas import tpu_sc as plsc

_IT = 4000
_NW = 16
_L = 16
_PAD_N = 100352
_CHUNK = _PAD_N // _NW
_NCH = _CHUNK // _L


def _sc_softmax_body(alf_hbm, gf_hbm, p_hbm, buf, stage_v, allv, shared, sem):
    s = lax.axis_index("s")
    base = s * _CHUNK

    pltpu.make_async_copy(gf_hbm.at[pl.ds(base, _CHUNK)], buf, sem).start()
    pltpu.sync_copy(alf_hbm, stage_v)
    alfv = stage_v[...]
    a16 = 1.0 / (1.0 + jnp.exp(-alfv))
    pltpu.make_async_copy(gf_hbm.at[pl.ds(base, _CHUNK)], buf, sem).wait()

    neg_inf = jnp.full((_L,), -jnp.inf, jnp.float32)
    _U = 8

    def mx(k, m):
        vals = [buf[pl.ds((k * _U + j) * _L, _L)] for j in range(_U)]
        t = [jnp.maximum(vals[2 * j], vals[2 * j + 1]) for j in range(_U // 2)]
        t = [jnp.maximum(t[2 * j], t[2 * j + 1]) for j in range(_U // 4)]
        return jnp.maximum(m, jnp.maximum(t[0], t[1]))

    mloc = lax.fori_loop(0, _NCH // _U, mx, neg_inf)
    stage_v[...] = mloc
    pltpu.sync_copy(stage_v, shared.at[pl.ds(s * _L, _L)])
    plsc.subcore_barrier()
    pltpu.sync_copy(shared, allv)
    plsc.subcore_barrier()

    def mx2(k, m):
        return jnp.maximum(m, allv[pl.ds(k * _L, _L)])

    m = jnp.max(lax.fori_loop(0, _NW, mx2, neg_inf))
    m16 = jnp.broadcast_to(m, (_L,))

    def ex(k, acc):
        es = []
        for j in range(_U):
            e = jnp.exp(buf[pl.ds((k * _U + j) * _L, _L)] - m16)
            buf[pl.ds((k * _U + j) * _L, _L)] = e
            es.append(e)
        t = [es[2 * j] + es[2 * j + 1] for j in range(_U // 2)]
        t = [t[2 * j] + t[2 * j + 1] for j in range(_U // 4)]
        return acc + (t[0] + t[1])

    sloc = lax.fori_loop(0, _NCH // _U, ex, jnp.zeros((_L,), jnp.float32))
    stage_v[...] = sloc
    pltpu.sync_copy(stage_v, shared.at[pl.ds(s * _L, _L)])
    plsc.subcore_barrier()
    pltpu.sync_copy(shared, allv)

    def sm2(k, acc):
        return acc + allv[pl.ds(k * _L, _L)]

    total = jnp.sum(lax.fori_loop(0, _NW, sm2, jnp.zeros((_L,), jnp.float32)))
    scale16 = (1.0 - a16) / jnp.broadcast_to(total, (_L,))

    def sc(k, carry):
        for j in range(_U):
            off = (k * _U + j) * _L
            buf[pl.ds(off, _L)] = buf[pl.ds(off, _L)] * scale16
        return carry

    lax.fori_loop(0, _NCH // _U, sc, 0)
    pltpu.sync_copy(buf, p_hbm.at[pl.ds(base, _CHUNK)])


def _sc_softmax(alf16, gf_pad):
    mesh = plsc.VectorSubcoreMesh(
        core_axis_name="c", subcore_axis_name="s", num_cores=1)
    kern = pl.kernel(
        _sc_softmax_body,
        out_type=jax.ShapeDtypeStruct((_PAD_N,), jnp.float32),
        mesh=mesh,
        scratch_types=[
            pltpu.VMEM((_CHUNK,), jnp.float32),
            pltpu.VMEM((_L,), jnp.float32),
            pltpu.VMEM((_NW * _L,), jnp.float32),
            pltpu.VMEM_SHARED((_NW * _L,), jnp.float32),
            pltpu.SemaphoreType.DMA,
        ],
        compiler_params=pltpu.CompilerParams(needs_layout_passes=False),
    )
    return kern(alf16, gf_pad)


def _blend_kernel(alf_ref, p_ref, his_ref, out_ref):
    a = jax.nn.sigmoid(alf_ref[0])
    g_col = p_ref[0, 0, :].reshape(_IT, 1)
    out_ref[...] = a * his_ref[...] + g_col


def kernel(his, global_freq_table, alf):
    batch, num_items = his.shape
    gf_pad = jnp.concatenate(
        [global_freq_table.reshape(-1),
         jnp.full((_PAD_N - num_items,), -jnp.inf, jnp.float32)])
    alf16 = jnp.broadcast_to(alf, (_L,))
    p_pad = _sc_softmax(alf16, gf_pad)

    num_tiles = num_items // _IT
    p3 = p_pad[:num_items].reshape(num_tiles, 1, _IT)
    his_t = his.T
    out_t = pl.pallas_call(
        _blend_kernel,
        grid=(num_tiles,),
        in_specs=[
            pl.BlockSpec(memory_space=pltpu.SMEM),
            pl.BlockSpec((1, 1, _IT), lambda i: (i, 0, 0)),
            pl.BlockSpec((_IT, batch), lambda i: (i, 0)),
        ],
        out_specs=pl.BlockSpec((_IT, batch), lambda i: (i, 0)),
        out_shape=jax.ShapeDtypeStruct((num_items, batch), his.dtype),
        compiler_params=pltpu.CompilerParams(
            vmem_limit_bytes=100 * 1024 * 1024),
    )(alf, p3, his_t)
    return out_t.T

# --- scband reference (transcript-rebuilt; emitter-appended) ---
"""Pipeline reference for scband-freq-1872605741858 (READ-ONLY COPY).

The authoritative reference and input builder live on the scoring server;
editing this copy changes nothing except your own understanding.
"""

import jax, jax.numpy as jnp
import numpy as np

NUM_ITEMS = 100000
BATCH = 1024

def setup_inputs(seed: int = 0) -> dict:
    key = jax.random.key(seed)
    k1, k2, k3 = jax.random.split(key, 3)
    his = jax.random.uniform(k1, (BATCH, NUM_ITEMS), dtype=jnp.float32)
    # learned parameters per __init__: nn.Embedding(1, numItems) weight and alf = rand(1)
    global_freq_table = jax.random.normal(k2, (1, NUM_ITEMS), dtype=jnp.float32)
    alf = jax.random.uniform(k3, (1,), dtype=jnp.float32)
    return {"his": his, "global_freq_table": global_freq_table, "alf": alf}

def reference(his, global_freq_table, alf):
    # alf = sigmoid(self.alf)
    a = jax.nn.sigmoid(alf)  # shape (1,)
    # global_freq = self.global_freq(self.input) with input = [0] -> embedding lookup (gather)
    idx = jnp.array([0], dtype=jnp.int32)
    global_freq = jnp.take(global_freq_table, idx, axis=0)  # (1, NUM_ITEMS)
    # softmax over dim=1 then flatten
    global_freq = jax.nn.softmax(global_freq, axis=1).reshape(-1)  # (NUM_ITEMS,)
    # res = alf * his + (1 - alf) * global_freq (broadcast over batch)
    res = a * his + (1.0 - a) * global_freq
    return res

if __name__ == "__main__":
    import jax
    _d = setup_inputs()
    print(jax.jit(kernel)(*tuple(_d.values())))

</pallas_src>

<mosaic_0001>
#map = affine_map<(d0, d1) -> (0)>
module attributes {stable_mosaic.version = 14 : i64} {
  func.func @_sc_softmax_body(%arg0: i32, %arg1: i32, %arg2: memref<16xf32, #tpu.memory_space<hbm>>, %arg3: memref<100352xf32, #tpu.memory_space<hbm>>, %arg4: memref<100352xf32, #tpu.memory_space<hbm>>, %arg5: memref<6272xf32, #tpu.memory_space<vmem>>, %arg6: memref<16xf32, #tpu.memory_space<vmem>>, %arg7: memref<256xf32, #tpu.memory_space<vmem>>, %arg8: memref<256xf32, #tpu.memory_space<vmem_shared>>, %arg9: memref<!tpu.dma_semaphore, #tpu.memory_space<semaphore_mem>>) attributes {dimension_semantics = [#tpu.dimension_semantics<core_parallel>, #tpu.dimension_semantics<subcore_parallel>], iteration_bounds = array<i64: 1, 16>, scalar_prefetch = 0 : i64, scratch_operands = 5 : i64, tpu.core_type = #tpu.core_type<sc_vector_subcore>, window_params = [{transform_indices = #map}, {transform_indices = #map}, {transform_indices = #map}]} {
    %mul3A = arith.constant 6272 : i32
    %mul3A_0 = arith.muli %arg1, %mul3A : i32
    %dma_start3A = tpu.memref_slice %arg3[%mul3A_0] : memref<100352xf32, #tpu.memory_space<hbm>> -> memref<6272xf32, #tpu.memory_space<hbm>>
    %dma_start3A_1 = tpu.memref_slice %arg3[%mul3A_0] : memref<100352xf32, #tpu.memory_space<hbm>> -> memref<6272xf32, #tpu.memory_space<hbm>>
    tpu.enqueue_dma source(%dma_start3A_1 : memref<6272xf32, #tpu.memory_space<hbm>>) target(%arg5 : memref<6272xf32, #tpu.memory_space<vmem>>) target_semaphore(%arg9 : memref<!tpu.dma_semaphore, #tpu.memory_space<semaphore_mem>>)
    "tpu.region"() ({
      %run_scoped3A = tpu.sem_alloc : memref<!tpu.dma_semaphore, #tpu.memory_space<semaphore_mem>>
      tpu.enqueue_dma source(%arg2 : memref<16xf32, #tpu.memory_space<hbm>>) target(%arg6 : memref<16xf32, #tpu.memory_space<vmem>>) target_semaphore(%run_scoped3A : memref<!tpu.dma_semaphore, #tpu.memory_space<semaphore_mem>>)
      tpu.wait_dma2 semaphore(%run_scoped3A : memref<!tpu.dma_semaphore, #tpu.memory_space<semaphore_mem>>) src(%arg2 : memref<16xf32, #tpu.memory_space<hbm>>) dst(%arg6 : memref<16xf32, #tpu.memory_space<vmem>>)
      tpu.yield
    }) : () -> ()
    %get3A = arith.constant 0 : index
    %get3A_2 = tpu.vector_load %arg6[%get3A] {strides = array<i32>} : memref<16xf32, #tpu.memory_space<vmem>>, vector<16xf32>,
    %neg3A = arith.constant 0.000000e+00 : f32
    %neg3A_3 = vector.broadcast %neg3A : f32 to vector<16xf32>
    %neg3A_4 = arith.subf %neg3A_3, %get3A_2 : vector<16xf32>
    %exp3A = math.exp %neg3A_4 : vector<16xf32>
    %add3A = arith.constant 1.000000e+00 : f32
    %add3A_5 = vector.broadcast %add3A : f32 to vector<16xf32>
    %add3A_6 = arith.addf %add3A_5, %exp3A : vector<16xf32>
    %div3A = arith.constant 1.000000e+00 : f32
    %div3A_7 = vector.broadcast %div3A : f32 to vector<16xf32>
    %div3A_8 = arith.divf %div3A_7, %add3A_6 : vector<16xf32>
    %dma_wait3A = tpu.memref_slice %arg3[%mul3A_0] : memref<100352xf32, #tpu.memory_space<hbm>> -> memref<6272xf32, #tpu.memory_space<hbm>>
    %dma_wait3A_9 = tpu.memref_slice %arg3[%mul3A_0] : memref<100352xf32, #tpu.memory_space<hbm>> -> memref<6272xf32, #tpu.memory_space<hbm>>
    tpu.wait_dma2 semaphore(%arg9 : memref<!tpu.dma_semaphore, #tpu.memory_space<semaphore_mem>>) src(%dma_wait3A_9 : memref<6272xf32, #tpu.memory_space<hbm>>) dst(%arg5 : memref<6272xf32, #tpu.memory_space<vmem>>)
    %broadcast_in_dim3A = arith.constant 0xFF800000 : f32
    %broadcast_in_dim3A_10 = vector.broadcast %broadcast_in_dim3A : f32 to vector<16xf32>
    %scan3A = arith.constant 0 : i32
    %scan3A_11 = arith.constant 49 : i32
    %scan3A_12 = arith.addi %scan3A, %scan3A_11 : i32
    %scan3A_13 = arith.constant 1 : i32
    %scan3A_14 = scf.for %scan3A_64 = %scan3A to %scan3A_12 step %scan3A_13 iter_args(%scan3A_65 = %broadcast_in_dim3A_10) -> (vector<16xf32>)  : i32 {
      %mul3A_66 = arith.constant 8 : i32
      %mul3A_67 = arith.muli %scan3A_64, %mul3A_66 : i32
      %add3A_68 = arith.constant 0 : i32
      %add3A_69 = arith.addi %mul3A_67, %add3A_68 : i32
      %mul3A_70 = arith.constant 16 : i32
      %mul3A_71 = arith.muli %add3A_69, %mul3A_70 : i32
      %get3A_72 = arith.index_cast %mul3A_71 : i32 to index
      %get3A_73 = tpu.vector_load %arg5[%get3A_72] {strides = array<i32>} : memref<6272xf32, #tpu.memory_space<vmem>>, vector<16xf32>,
      %mul3A_74 = arith.constant 8 : i32
      %mul3A_75 = arith.muli %scan3A_64, %mul3A_74 : i32
      %add3A_76 = arith.constant 1 : i32
      %add3A_77 = arith.addi %mul3A_75, %add3A_76 : i32
      %mul3A_78 = arith.constant 16 : i32
      %mul3A_79 = arith.muli %add3A_77, %mul3A_78 : i32
      %get3A_80 = arith.index_cast %mul3A_79 : i32 to index
      %get3A_81 = tpu.vector_load %arg5[%get3A_80] {strides = array<i32>} : memref<6272xf32, #tpu.memory_space<vmem>>, vector<16xf32>,
      %mul3A_82 = arith.constant 8 : i32
      %mul3A_83 = arith.muli %scan3A_64, %mul3A_82 : i32
      %add3A_84 = arith.constant 2 : i32
      %add3A_85 = arith.addi %mul3A_83, %add3A_84 : i32
      %mul3A_86 = arith.constant 16 : i32
      %mul3A_87 = arith.muli %add3A_85, %mul3A_86 : i32
      %get3A_88 = arith.index_cast %mul3A_87 : i32 to index
      %get3A_89 = tpu.vector_load %arg5[%get3A_88] {strides = array<i32>} : memref<6272xf32, #tpu.memory_space<vmem>>, vector<16xf32>,
      %mul3A_90 = arith.constant 8 : i32
      %mul3A_91 = arith.muli %scan3A_64, %mul3A_90 : i32
      %add3A_92 = arith.constant 3 : i32
      %add3A_93 = arith.addi %mul3A_91, %add3A_92 : i32
      %mul3A_94 = arith.constant 16 : i32
      %mul3A_95 = arith.muli %add3A_93, %mul3A_94 : i32
      %get3A_96 = arith.index_cast %mul3A_95 : i32 to index
      %get3A_97 = tpu.vector_load %arg5[%get3A_96] {strides = array<i32>} : memref<6272xf32, #tpu.memory_space<vmem>>, vector<16xf32>,
      %mul3A_98 = arith.constant 8 : i32
      %mul3A_99 = arith.muli %scan3A_64, %mul3A_98 : i32
      %add3A_100 = arith.constant 4 : i32
      %add3A_101 = arith.addi %mul3A_99, %add3A_100 : i32
      %mul3A_102 = arith.constant 16 : i32
      %mul3A_103 = arith.muli %add3A_101, %mul3A_102 : i32
      %get3A_104 = arith.index_cast %mul3A_103 : i32 to index
      %get3A_105 = tpu.vector_load %arg5[%get3A_104] {strides = array<i32>} : memref<6272xf32, #tpu.memory_space<vmem>>, vector<16xf32>,
      %mul3A_106 = arith.constant 8 : i32
      %mul3A_107 = arith.muli %scan3A_64, %mul3A_106 : i32
      %add3A_108 = arith.constant 5 : i32
      %add3A_109 = arith.addi %mul3A_107, %add3A_108 : i32
      %mul3A_110 = arith.constant 16 : i32
      %mul3A_111 = arith.muli %add3A_109, %mul3A_110 : i32
      %get3A_112 = arith.index_cast %mul3A_111 : i32 to index
      %get3A_113 = tpu.vector_load %arg5[%get3A_112] {strides = array<i32>} : memref<6272xf32, #tpu.memory_space<vmem>>, vector<16xf32>,
      %mul3A_114 = arith.constant 8 : i32
      %mul3A_115 = arith.muli %scan3A_64, %mul3A_114 : i32
      %add3A_116 = arith.constant 6 : i32
      %add3A_117 = arith.addi %mul3A_115, %add3A_116 : i32
      %mul3A_118 = arith.constant 16 : i32
      %mul3A_119 = arith.muli %add3A_117, %mul3A_118 : i32
      %get3A_120 = arith.index_cast %mul3A_119 : i32 to index
      %get3A_121 = tpu.vector_load %arg5[%get3A_120] {strides = array<i32>} : memref<6272xf32, #tpu.memory_space<vmem>>, vector<16xf32>,
      %mul3A_122 = arith.constant 8 : i32
      %mul3A_123 = arith.muli %scan3A_64, %mul3A_122 : i32
      %add3A_124 = arith.constant 7 : i32
      %add3A_125 = arith.addi %mul3A_123, %add3A_124 : i32
      %mul3A_126 = arith.constant 16 : i32
      %mul3A_127 = arith.muli %add3A_125, %mul3A_126 : i32
      %get3A_128 = arith.index_cast %mul3A_127 : i32 to index
      %get3A_129 = tpu.vector_load %arg5[%get3A_128] {strides = array<i32>} : memref<6272xf32, #tpu.memory_space<vmem>>, vector<16xf32>,
      %max3A = arith.maximumf %get3A_73, %get3A_81 : vector<16xf32>
      %max3A_130 = arith.maximumf %get3A_89, %get3A_97 : vector<16xf32>
      %max3A_131 = arith.maximumf %get3A_105, %get3A_113 : vector<16xf32>
      %max3A_132 = arith.maximumf %get3A_121, %get3A_129 : vector<16xf32>
      %max3A_133 = arith.maximumf %max3A, %max3A_130 : vector<16xf32>
      %max3A_134 = arith.maximumf %max3A_131, %max3A_132 : vector<16xf32>
      %max3A_135 = arith.maximumf %max3A_133, %max3A_134 : vector<16xf32>
      %max3A_136 = arith.maximumf %scan3A_65, %max3A_135 : vector<16xf32>
      scf.yield %max3A_136 : vector<16xf32>
    }
    %scan3A_15 = arith.constant 49 : i32
    %swap3A = arith.constant 0 : index
    %swap3A_16 = tpu.vector_load %arg6[%swap3A] {strides = array<i32>} : memref<16xf32, #tpu.memory_space<vmem>>, vector<16xf32>,
    tpu.vector_store %arg6[%swap3A], %scan3A_14 {strides = array<i32>} : memref<16xf32, #tpu.memory_space<vmem>>, vector<16xf32>,
    %mul3A_17 = arith.constant 16 : i32
    %mul3A_18 = arith.muli %arg1, %mul3A_17 : i32
    "tpu.region"() ({
      %run_scoped3A = tpu.sem_alloc : memref<!tpu.dma_semaphore, #tpu.memory_space<semaphore_mem>>
      %dma_start3A_64 = tpu.memref_slice %arg8[%mul3A_18] : memref<256xf32, #tpu.memory_space<vmem_shared>> -> memref<16xf32, #tpu.memory_space<vmem_shared>>
      %dma_start3A_65 = tpu.memref_slice %arg8[%mul3A_18] : memref<256xf32, #tpu.memory_space<vmem_shared>> -> memref<16xf32, #tpu.memory_space<vmem_shared>>
      tpu.enqueue_dma source(%arg6 : memref<16xf32, #tpu.memory_space<vmem>>) target(%dma_start3A_65 : memref<16xf32, #tpu.memory_space<vmem_shared>>) target_semaphore(%run_scoped3A : memref<!tpu.dma_semaphore, #tpu.memory_space<semaphore_mem>>)
      %dma_wait3A_66 = tpu.memref_slice %arg8[%mul3A_18] : memref<256xf32, #tpu.memory_space<vmem_shared>> -> memref<16xf32, #tpu.memory_space<vmem_shared>>
      %dma_wait3A_67 = tpu.memref_slice %arg8[%mul3A_18] : memref<256xf32, #tpu.memory_space<vmem_shared>> -> memref<16xf32, #tpu.memory_space<vmem_shared>>
      tpu.wait_dma2 semaphore(%run_scoped3A : memref<!tpu.dma_semaphore, #tpu.memory_space<semaphore_mem>>) src(%arg6 : memref<16xf32, #tpu.memory_space<vmem>>) dst(%dma_wait3A_67 : memref<16xf32, #tpu.memory_space<vmem_shared>>)
      tpu.yield
    }) : () -> ()
    %barrier3A = arith.constant 0 : index
    tpu.barrier barrier_id(%barrier3A)
    "tpu.region"() ({
      %run_scoped3A = tpu.sem_alloc : memref<!tpu.dma_semaphore, #tpu.memory_space<semaphore_mem>>
      tpu.enqueue_dma source(%arg8 : memref<256xf32, #tpu.memory_space<vmem_shared>>) target(%arg7 : memref<256xf32, #tpu.memory_space<vmem>>) target_semaphore(%run_scoped3A : memref<!tpu.dma_semaphore, #tpu.memory_space<semaphore_mem>>)
      tpu.wait_dma2 semaphore(%run_scoped3A : memref<!tpu.dma_semaphore, #tpu.memory_space<semaphore_mem>>) src(%arg8 : memref<256xf32, #tpu.memory_space<vmem_shared>>) dst(%arg7 : memref<256xf32, #tpu.memory_space<vmem>>)
      tpu.yield
    }) : () -> ()
    %barrier3A_19 = arith.constant 0 : index
    tpu.barrier barrier_id(%barrier3A_19)
    %scan3A_20 = arith.constant 0 : i32
    %scan3A_21 = arith.constant 16 : i32
    %scan3A_22 = arith.addi %scan3A_20, %scan3A_21 : i32
    %scan3A_23 = arith.constant 1 : i32
    %scan3A_24 = scf.for %scan3A_64 = %scan3A_20 to %scan3A_22 step %scan3A_23 iter_args(%scan3A_65 = %broadcast_in_dim3A_10) -> (vector<16xf32>)  : i32 {
      %mul3A_66 = arith.constant 16 : i32
      %mul3A_67 = arith.muli %scan3A_64, %mul3A_66 : i32
      %get3A_68 = arith.index_cast %mul3A_67 : i32 to index
      %get3A_69 = tpu.vector_load %arg7[%get3A_68] {strides = array<i32>} : memref<256xf32, #tpu.memory_space<vmem>>, vector<16xf32>,
      %max3A = arith.maximumf %scan3A_65, %get3A_69 : vector<16xf32>
      scf.yield %max3A : vector<16xf32>
    }
    %scan3A_25 = arith.constant 16 : i32
    %reduce_max3A = arith.constant true
    %reduce_max3A_26 = vector.broadcast %reduce_max3A : i1 to vector<16xi1>
    %reduce_max3A_27 = tpu.scan <max>, %scan3A_24 masked %reduce_max3A_26 : vector<16xf32>, vector<16xi1> -> vector<16xf32>
    %reduce_max3A_28 = vector.extract %reduce_max3A_27[15] : f32 from vector<16xf32>
    %broadcast_in_dim3A_29 = vector.broadcast %reduce_max3A_28 : f32 to vector<16xf32>
    %broadcast_in_dim3A_30 = arith.constant 0.000000e+00 : f32
    %broadcast_in_dim3A_31 = vector.broadcast %broadcast_in_dim3A_30 : f32 to vector<16xf32>
    %scan3A_32 = arith.constant 0 : i32
    %scan3A_33 = arith.constant 49 : i32
    %scan3A_34 = arith.addi %scan3A_32, %scan3A_33 : i32
    %scan3A_35 = arith.constant 1 : i32
    %scan3A_36 = scf.for %scan3A_64 = %scan3A_32 to %scan3A_34 step %scan3A_35 iter_args(%scan3A_65 = %broadcast_in_dim3A_31) -> (vector<16xf32>)  : i32 {
      %mul3A_66 = arith.constant 8 : i32
      %mul3A_67 = arith.muli %scan3A_64, %mul3A_66 : i32
      %add3A_68 = arith.constant 0 : i32
      %add3A_69 = arith.addi %mul3A_67, %add3A_68 : i32
      %mul3A_70 = arith.constant 16 : i32
      %mul3A_71 = arith.muli %add3A_69, %mul3A_70 : i32
      %get3A_72 = arith.index_cast %mul3A_71 : i32 to index
      %get3A_73 = tpu.vector_load %arg5[%get3A_72] {strides = array<i32>} : memref<6272xf32, #tpu.memory_space<vmem>>, vector<16xf32>,
      %sub3A_74 = arith.subf %get3A_73, %broadcast_in_dim3A_29 : vector<16xf32>
      %exp3A_75 = math.exp %sub3A_74 : vector<16xf32>
      %mul3A_76 = arith.constant 8 : i32
      %mul3A_77 = arith.muli %scan3A_64, %mul3A_76 : i32
      %add3A_78 = arith.constant 0 : i32
      %add3A_79 = arith.addi %mul3A_77, %add3A_78 : i32
      %mul3A_80 = arith.constant 16 : i32
      %mul3A_81 = arith.muli %add3A_79, %mul3A_80 : i32
      %swap3A_82 = arith.index_cast %mul3A_81 : i32 to index
      %swap3A_83 = tpu.vector_load %arg5[%swap3A_82] {strides = array<i32>} : memref<6272xf32, #tpu.memory_space<vmem>>, vector<16xf32>,
      tpu.vector_store %arg5[%swap3A_82], %exp3A_75 {strides = array<i32>} : memref<6272xf32, #tpu.memory_space<vmem>>, vector<16xf32>,
      %mul3A_84 = arith.constant 8 : i32
      %mul3A_85 = arith.muli %scan3A_64, %mul3A_84 : i32
      %add3A_86 = arith.constant 1 : i32
      %add3A_87 = arith.addi %mul3A_85, %add3A_86 : i32
      %mul3A_88 = arith.constant 16 : i32
      %mul3A_89 = arith.muli %add3A_87, %mul3A_88 : i32
      %get3A_90 = arith.index_cast %mul3A_89 : i32 to index
      %get3A_91 = tpu.vector_load %arg5[%get3A_90] {strides = array<i32>} : memref<6272xf32, #tpu.memory_space<vmem>>, vector<16xf32>,
      %sub3A_92 = arith.subf %get3A_91, %broadcast_in_dim3A_29 : vector<16xf32>
      %exp3A_93 = math.exp %sub3A_92 : vector<16xf32>
      %mul3A_94 = arith.constant 8 : i32
      %mul3A_95 = arith.muli %scan3A_64, %mul3A_94 : i32
      %add3A_96 = arith.constant 1 : i32
      %add3A_97 = arith.addi %mul3A_95, %add3A_96 : i32
      %mul3A_98 = arith.constant 16 : i32
      %mul3A_99 = arith.muli %add3A_97, %mul3A_98 : i32
      %swap3A_100 = arith.index_cast %mul3A_99 : i32 to index
      %swap3A_101 = tpu.vector_load %arg5[%swap3A_100] {strides = array<i32>} : memref<6272xf32, #tpu.memory_space<vmem>>, vector<16xf32>,
      tpu.vector_store %arg5[%swap3A_100], %exp3A_93 {strides = array<i32>} : memref<6272xf32, #tpu.memory_space<vmem>>, vector<16xf32>,
      %mul3A_102 = arith.constant 8 : i32
      %mul3A_103 = arith.muli %scan3A_64, %mul3A_102 : i32
      %add3A_104 = arith.constant 2 : i32
      %add3A_105 = arith.addi %mul3A_103, %add3A_104 : i32
      %mul3A_106 = arith.constant 16 : i32
      %mul3A_107 = arith.muli %add3A_105, %mul3A_106 : i32
      %get3A_108 = arith.index_cast %mul3A_107 : i32 to index
      %get3A_109 = tpu.vector_load %arg5[%get3A_108] {strides = array<i32>} : memref<6272xf32, #tpu.memory_space<vmem>>, vector<16xf32>,
      %sub3A_110 = arith.subf %get3A_109, %broadcast_in_dim3A_29 : vector<16xf32>
      %exp3A_111 = math.exp %sub3A_110 : vector<16xf32>
      %mul3A_112 = arith.constant 8 : i32
      %mul3A_113 = arith.muli %scan3A_64, %mul3A_112 : i32
      %add3A_114 = arith.constant 2 : i32
      %add3A_115 = arith.addi %mul3A_113, %add3A_114 : i32
      %mul3A_116 = arith.constant 16 : i32
      %mul3A_117 = arith.muli %add3A_115, %mul3A_116 : i32
      %swap3A_118 = arith.index_cast %mul3A_117 : i32 to index
      %swap3A_119 = tpu.vector_load %arg5[%swap3A_118] {strides = array<i32>} : memref<6272xf32, #tpu.memory_space<vmem>>, vector<16xf32>,
      tpu.vector_store %arg5[%swap3A_118], %exp3A_111 {strides = array<i32>} : memref<6272xf32, #tpu.memory_space<vmem>>, vector<16xf32>,
      %mul3A_120 = arith.constant 8 : i32
      %mul3A_121 = arith.muli %scan3A_64, %mul3A_120 : i32
      %add3A_122 = arith.constant 3 : i32
      %add3A_123 = arith.addi %mul3A_121, %add3A_122 : i32
      %mul3A_124 = arith.constant 16 : i32
      %mul3A_125 = arith.muli %add3A_123, %mul3A_124 : i32
      %get3A_126 = arith.index_cast %mul3A_125 : i32 to index
      %get3A_127 = tpu.vector_load %arg5[%get3A_126] {strides = array<i32>} : memref<6272xf32, #tpu.memory_space<vmem>>, vector<16xf32>,
      %sub3A_128 = arith.subf %get3A_127, %broadcast_in_dim3A_29 : vector<16xf32>
      %exp3A_129 = math.exp %sub3A_128 : vector<16xf32>
      %mul3A_130 = arith.constant 8 : i32
      %mul3A_131 = arith.muli %scan3A_64, %mul3A_130 : i32
      %add3A_132 = arith.constant 3 : i32
      %add3A_133 = arith.addi %mul3A_131, %add3A_132 : i32
      %mul3A_134 = arith.constant 16 : i32
      %mul3A_135 = arith.muli %add3A_133, %mul3A_134 : i32
      %swap3A_136 = arith.index_cast %mul3A_135 : i32 to index
      %swap3A_137 = tpu.vector_load %arg5[%swap3A_136] {strides = array<i32>} : memref<6272xf32, #tpu.memory_space<vmem>>, vector<16xf32>,
      tpu.vector_store %arg5[%swap3A_136], %exp3A_129 {strides = array<i32>} : memref<6272xf32, #tpu.memory_space<vmem>>, vector<16xf32>,
      %mul3A_138 = arith.constant 8 : i32
      %mul3A_139 = arith.muli %scan3A_64, %mul3A_138 : i32
      %add3A_140 = arith.constant 4 : i32
      %add3A_141 = arith.addi %mul3A_139, %add3A_140 : i32
      %mul3A_142 = arith.constant 16 : i32
      %mul3A_143 = arith.muli %add3A_141, %mul3A_142 : i32
      %get3A_144 = arith.index_cast %mul3A_143 : i32 to index
      %get3A_145 = tpu.vector_load %arg5[%get3A_144] {strides = array<i32>} : memref<6272xf32, #tpu.memory_space<vmem>>, vector<16xf32>,
      %sub3A_146 = arith.subf %get3A_145, %broadcast_in_dim3A_29 : vector<16xf32>
      %exp3A_147 = math.exp %sub3A_146 : vector<16xf32>
      %mul3A_148 = arith.constant 8 : i32
      %mul3A_149 = arith.muli %scan3A_64, %mul3A_148 : i32
      %add3A_150 = arith.constant 4 : i32
      %add3A_151 = arith.addi %mul3A_149, %add3A_150 : i32
      %mul3A_152 = arith.constant 16 : i32
      %mul3A_153 = arith.muli %add3A_151, %mul3A_152 : i32
      %swap3A_154 = arith.index_cast %mul3A_153 : i32 to index
      %swap3A_155 = tpu.vector_load %arg5[%swap3A_154] {strides = array<i32>} : memref<6272xf32, #tpu.memory_space<vmem>>, vector<16xf32>,
      tpu.vector_store %arg5[%swap3A_154], %exp3A_147 {strides = array<i32>} : memref<6272xf32, #tpu.memory_space<vmem>>, vector<16xf32>,
      %mul3A_156 = arith.constant 8 : i32
      %mul3A_157 = arith.muli %scan3A_64, %mul3A_156 : i32
      %add3A_158 = arith.constant 5 : i32
      %add3A_159 = arith.addi %mul3A_157, %add3A_158 : i32
      %mul3A_160 = arith.constant 16 : i32
      %mul3A_161 = arith.muli %add3A_159, %mul3A_160 : i32
      %get3A_162 = arith.index_cast %mul3A_161 : i32 to index
      %get3A_163 = tpu.vector_load %arg5[%get3A_162] {strides = array<i32>} : memref<6272xf32, #tpu.memory_space<vmem>>, vector<16xf32>,
      %sub3A_164 = arith.subf %get3A_163, %broadcast_in_dim3A_29 : vector<16xf32>
      %exp3A_165 = math.exp %sub3A_164 : vector<16xf32>
      %mul3A_166 = arith.constant 8 : i32
      %mul3A_167 = arith.muli %scan3A_64, %mul3A_166 : i32
      %add3A_168 = arith.constant 5 : i32
      %add3A_169 = arith.addi %mul3A_167, %add3A_168 : i32
      %mul3A_170 = arith.constant 16 : i32
      %mul3A_171 = arith.muli %add3A_169, %mul3A_170 : i32
      %swap3A_172 = arith.index_cast %mul3A_171 : i32 to index
      %swap3A_173 = tpu.vector_load %arg5[%swap3A_172] {strides = array<i32>} : memref<6272xf32, #tpu.memory_space<vmem>>, vector<16xf32>,
      tpu.vector_store %arg5[%swap3A_172], %exp3A_165 {strides = array<i32>} : memref<6272xf32, #tpu.memory_space<vmem>>, vector<16xf32>,
      %mul3A_174 = arith.constant 8 : i32
      %mul3A_175 = arith.muli %scan3A_64, %mul3A_174 : i32
      %add3A_176 = arith.constant 6 : i32
      %add3A_177 = arith.addi %mul3A_175, %add3A_176 : i32
      %mul3A_178 = arith.constant 16 : i32
      %mul3A_179 = arith.muli %add3A_177, %mul3A_178 : i32
      %get3A_180 = arith.index_cast %mul3A_179 : i32 to index
      %get3A_181 = tpu.vector_load %arg5[%get3A_180] {strides = array<i32>} : memref<6272xf32, #tpu.memory_space<vmem>>, vector<16xf32>,
      %sub3A_182 = arith.subf %get3A_181, %broadcast_in_dim3A_29 : vector<16xf32>
      %exp3A_183 = math.exp %sub3A_182 : vector<16xf32>
      %mul3A_184 = arith.constant 8 : i32
      %mul3A_185 = arith.muli %scan3A_64, %mul3A_184 : i32
      %add3A_186 = arith.constant 6 : i32
      %add3A_187 = arith.addi %mul3A_185, %add3A_186 : i32
      %mul3A_188 = arith.constant 16 : i32
      %mul3A_189 = arith.muli %add3A_187, %mul3A_188 : i32
      %swap3A_190 = arith.index_cast %mul3A_189 : i32 to index
      %swap3A_191 = tpu.vector_load %arg5[%swap3A_190] {strides = array<i32>} : memref<6272xf32, #tpu.memory_space<vmem>>, vector<16xf32>,
      tpu.vector_store %arg5[%swap3A_190], %exp3A_183 {strides = array<i32>} : memref<6272xf32, #tpu.memory_space<vmem>>, vector<16xf32>,
      %mul3A_192 = arith.constant 8 : i32
      %mul3A_193 = arith.muli %scan3A_64, %mul3A_192 : i32
      %add3A_194 = arith.constant 7 : i32
      %add3A_195 = arith.addi %mul3A_193, %add3A_194 : i32
      %mul3A_196 = arith.constant 16 : i32
      %mul3A_197 = arith.muli %add3A_195, %mul3A_196 : i32
      %get3A_198 = arith.index_cast %mul3A_197 : i32 to index
      %get3A_199 = tpu.vector_load %arg5[%get3A_198] {strides = array<i32>} : memref<6272xf32, #tpu.memory_space<vmem>>, vector<16xf32>,
      %sub3A_200 = arith.subf %get3A_199, %broadcast_in_dim3A_29 : vector<16xf32>
      %exp3A_201 = math.exp %sub3A_200 : vector<16xf32>
      %mul3A_202 = arith.constant 8 : i32
      %mul3A_203 = arith.muli %scan3A_64, %mul3A_202 : i32
      %add3A_204 = arith.constant 7 : i32
      %add3A_205 = arith.addi %mul3A_203, %add3A_204 : i32
      %mul3A_206 = arith.constant 16 : i32
      %mul3A_207 = arith.muli %add3A_205, %mul3A_206 : i32
      %swap3A_208 = arith.index_cast %mul3A_207 : i32 to index
      %swap3A_209 = tpu.vector_load %arg5[%swap3A_208] {strides = array<i32>} : memref<6272xf32, #tpu.memory_space<vmem>>, vector<16xf32>,
      tpu.vector_store %arg5[%swap3A_208], %exp3A_201 {strides = array<i32>} : memref<6272xf32, #tpu.memory_space<vmem>>, vector<16xf32>,
      %add3A_210 = arith.addf %exp3A_75, %exp3A_93 : vector<16xf32>
      %add3A_211 = arith.addf %exp3A_111, %exp3A_129 : vector<16xf32>
      %add3A_212 = arith.addf %exp3A_147, %exp3A_165 : vector<16xf32>
      %add3A_213 = arith.addf %exp3A_183, %exp3A_201 : vector<16xf32>
      %add3A_214 = arith.addf %add3A_210, %add3A_211 : vector<16xf32>
      %add3A_215 = arith.addf %add3A_212, %add3A_213 : vector<16xf32>
      %add3A_216 = arith.addf %add3A_214, %add3A_215 : vector<16xf32>
      %add3A_217 = arith.addf %scan3A_65, %add3A_216 : vector<16xf32>
      scf.yield %add3A_217 : vector<16xf32>
    }
    %scan3A_37 = arith.constant 49 : i32
    %swap3A_38 = arith.constant 0 : index
    %swap3A_39 = tpu.vector_load %arg6[%swap3A_38] {strides = array<i32>} : memref<16xf32, #tpu.memory_space<vmem>>, vector<16xf32>,
    tpu.vector_store %arg6[%swap3A_38], %scan3A_36 {strides = array<i32>} : memref<16xf32, #tpu.memory_space<vmem>>, vector<16xf32>,
    %mul3A_40 = arith.constant 16 : i32
    %mul3A_41 = arith.muli %arg1, %mul3A_40 : i32
    "tpu.region"() ({
      %run_scoped3A = tpu.sem_alloc : memref<!tpu.dma_semaphore, #tpu.memory_space<semaphore_mem>>
      %dma_start3A_64 = tpu.memref_slice %arg8[%mul3A_41] : memref<256xf32, #tpu.memory_space<vmem_shared>> -> memref<16xf32, #tpu.memory_space<vmem_shared>>
      %dma_start3A_65 = tpu.memref_slice %arg8[%mul3A_41] : memref<256xf32, #tpu.memory_space<vmem_shared>> -> memref<16xf32, #tpu.memory_space<vmem_shared>>
      tpu.enqueue_dma source(%arg6 : memref<16xf32, #tpu.memory_space<vmem>>) target(%dma_start3A_65 : memref<16xf32, #tpu.memory_space<vmem_shared>>) target_semaphore(%run_scoped3A : memref<!tpu.dma_semaphore, #tpu.memory_space<semaphore_mem>>)
      %dma_wait3A_66 = tpu.memref_slice %arg8[%mul3A_41] : memref<256xf32, #tpu.memory_space<vmem_shared>> -> memref<16xf32, #tpu.memory_space<vmem_shared>>
      %dma_wait3A_67 = tpu.memref_slice %arg8[%mul3A_41] : memref<256xf32, #tpu.memory_space<vmem_shared>> -> memref<16xf32, #tpu.memory_space<vmem_shared>>
      tpu.wait_dma2 semaphore(%run_scoped3A : memref<!tpu.dma_semaphore, #tpu.memory_space<semaphore_mem>>) src(%arg6 : memref<16xf32, #tpu.memory_space<vmem>>) dst(%dma_wait3A_67 : memref<16xf32, #tpu.memory_space<vmem_shared>>)
      tpu.yield
    }) : () -> ()
    %barrier3A_42 = arith.constant 0 : index
    tpu.barrier barrier_id(%barrier3A_42)
    "tpu.region"() ({
      %run_scoped3A = tpu.sem_alloc : memref<!tpu.dma_semaphore, #tpu.memory_space<semaphore_mem>>
      tpu.enqueue_dma source(%arg8 : memref<256xf32, #tpu.memory_space<vmem_shared>>) target(%arg7 : memref<256xf32, #tpu.memory_space<vmem>>) target_semaphore(%run_scoped3A : memref<!tpu.dma_semaphore, #tpu.memory_space<semaphore_mem>>)
      tpu.wait_dma2 semaphore(%run_scoped3A : memref<!tpu.dma_semaphore, #tpu.memory_space<semaphore_mem>>) src(%arg8 : memref<256xf32, #tpu.memory_space<vmem_shared>>) dst(%arg7 : memref<256xf32, #tpu.memory_space<vmem>>)
      tpu.yield
    }) : () -> ()
    %broadcast_in_dim3A_43 = arith.constant 0.000000e+00 : f32
    %broadcast_in_dim3A_44 = vector.broadcast %broadcast_in_dim3A_43 : f32 to vector<16xf32>
    %scan3A_45 = arith.constant 0 : i32
    %scan3A_46 = arith.constant 16 : i32
    %scan3A_47 = arith.addi %scan3A_45, %scan3A_46 : i32
    %scan3A_48 = arith.constant 1 : i32
    %scan3A_49 = scf.for %scan3A_64 = %scan3A_45 to %scan3A_47 step %scan3A_48 iter_args(%scan3A_65 = %broadcast_in_dim3A_44) -> (vector<16xf32>)  : i32 {
      %mul3A_66 = arith.constant 16 : i32
      %mul3A_67 = arith.muli %scan3A_64, %mul3A_66 : i32
      %get3A_68 = arith.index_cast %mul3A_67 : i32 to index
      %get3A_69 = tpu.vector_load %arg7[%get3A_68] {strides = array<i32>} : memref<256xf32, #tpu.memory_space<vmem>>, vector<16xf32>,
      %add3A_70 = arith.addf %scan3A_65, %get3A_69 : vector<16xf32>
      scf.yield %add3A_70 : vector<16xf32>
    }
    %scan3A_50 = arith.constant 16 : i32
    %reduce_sum3A = arith.constant true
    %reduce_sum3A_51 = vector.broadcast %reduce_sum3A : i1 to vector<16xi1>
    %reduce_sum3A_52 = tpu.scan <sum>, %scan3A_49 masked %reduce_sum3A_51 : vector<16xf32>, vector<16xi1> -> vector<16xf32>
    %reduce_sum3A_53 = vector.extract %reduce_sum3A_52[15] : f32 from vector<16xf32>
    %sub3A = arith.constant 1.000000e+00 : f32
    %sub3A_54 = vector.broadcast %sub3A : f32 to vector<16xf32>
    %sub3A_55 = arith.subf %sub3A_54, %div3A_8 : vector<16xf32>
    %broadcast_in_dim3A_56 = vector.broadcast %reduce_sum3A_53 : f32 to vector<16xf32>
    %div3A_57 = arith.divf %sub3A_55, %broadcast_in_dim3A_56 : vector<16xf32>
    %scan3A_58 = arith.constant 0 : i32
    %scan3A_59 = arith.constant 0 : i32
    %scan3A_60 = arith.constant 49 : i32
    %scan3A_61 = arith.addi %scan3A_59, %scan3A_60 : i32
    %scan3A_62 = arith.constant 1 : i32
    scf.for %scan3A_64 = %scan3A_59 to %scan3A_61 step %scan3A_62  : i32 {
      %mul3A_65 = arith.constant 8 : i32
      %mul3A_66 = arith.muli %scan3A_64, %mul3A_65 : i32
      %add3A_67 = arith.constant 0 : i32
      %add3A_68 = arith.addi %mul3A_66, %add3A_67 : i32
      %mul3A_69 = arith.constant 16 : i32
      %mul3A_70 = arith.muli %add3A_68, %mul3A_69 : i32
      %get3A_71 = arith.index_cast %mul3A_70 : i32 to index
      %get3A_72 = tpu.vector_load %arg5[%get3A_71] {strides = array<i32>} : memref<6272xf32, #tpu.memory_space<vmem>>, vector<16xf32>,
      %mul3A_73 = arith.mulf %get3A_72, %div3A_57 : vector<16xf32>
      %swap3A_74 = arith.index_cast %mul3A_70 : i32 to index
      %swap3A_75 = tpu.vector_load %arg5[%swap3A_74] {strides = array<i32>} : memref<6272xf32, #tpu.memory_space<vmem>>, vector<16xf32>,
      tpu.vector_store %arg5[%swap3A_74], %mul3A_73 {strides = array<i32>} : memref<6272xf32, #tpu.memory_space<vmem>>, vector<16xf32>,
      %mul3A_76 = arith.constant 8 : i32
      %mul3A_77 = arith.muli %scan3A_64, %mul3A_76 : i32
      %add3A_78 = arith.constant 1 : i32
      %add3A_79 = arith.addi %mul3A_77, %add3A_78 : i32
      %mul3A_80 = arith.constant 16 : i32
      %mul3A_81 = arith.muli %add3A_79, %mul3A_80 : i32
      %get3A_82 = arith.index_cast %mul3A_81 : i32 to index
      %get3A_83 = tpu.vector_load %arg5[%get3A_82] {strides = array<i32>} : memref<6272xf32, #tpu.memory_space<vmem>>, vector<16xf32>,
      %mul3A_84 = arith.mulf %get3A_83, %div3A_57 : vector<16xf32>
      %swap3A_85 = arith.index_cast %mul3A_81 : i32 to index
      %swap3A_86 = tpu.vector_load %arg5[%swap3A_85] {strides = array<i32>} : memref<6272xf32, #tpu.memory_space<vmem>>, vector<16xf32>,
      tpu.vector_store %arg5[%swap3A_85], %mul3A_84 {strides = array<i32>} : memref<6272xf32, #tpu.memory_space<vmem>>, vector<16xf32>,
      %mul3A_87 = arith.constant 8 : i32
      %mul3A_88 = arith.muli %scan3A_64, %mul3A_87 : i32
      %add3A_89 = arith.constant 2 : i32
      %add3A_90 = arith.addi %mul3A_88, %add3A_89 : i32
      %mul3A_91 = arith.constant 16 : i32
      %mul3A_92 = arith.muli %add3A_90, %mul3A_91 : i32
      %get3A_93 = arith.index_cast %mul3A_92 : i32 to index
      %get3A_94 = tpu.vector_load %arg5[%get3A_93] {strides = array<i32>} : memref<6272xf32, #tpu.memory_space<vmem>>, vector<16xf32>,
      %mul3A_95 = arith.mulf %get3A_94, %div3A_57 : vector<16xf32>
      %swap3A_96 = arith.index_cast %mul3A_92 : i32 to index
      %swap3A_97 = tpu.vector_load %arg5[%swap3A_96] {strides = array<i32>} : memref<6272xf32, #tpu.memory_space<vmem>>, vector<16xf32>,
      tpu.vector_store %arg5[%swap3A_96], %mul3A_95 {strides = array<i32>} : memref<6272xf32, #tpu.memory_space<vmem>>, vector<16xf32>,
      %mul3A_98 = arith.constant 8 : i32
      %mul3A_99 = arith.muli %scan3A_64, %mul3A_98 : i32
      %add3A_100 = arith.constant 3 : i32
      %add3A_101 = arith.addi %mul3A_99, %add3A_100 : i32
      %mul3A_102 = arith.constant 16 : i32
      %mul3A_103 = arith.muli %add3A_101, %mul3A_102 : i32
      %get3A_104 = arith.index_cast %mul3A_103 : i32 to index
      %get3A_105 = tpu.vector_load %arg5[%get3A_104] {strides = array<i32>} : memref<6272xf32, #tpu.memory_space<vmem>>, vector<16xf32>,
      %mul3A_106 = arith.mulf %get3A_105, %div3A_57 : vector<16xf32>
      %swap3A_107 = arith.index_cast %mul3A_103 : i32 to index
      %swap3A_108 = tpu.vector_load %arg5[%swap3A_107] {strides = array<i32>} : memref<6272xf32, #tpu.memory_space<vmem>>, vector<16xf32>,
      tpu.vector_store %arg5[%swap3A_107], %mul3A_106 {strides = array<i32>} : memref<6272xf32, #tpu.memory_space<vmem>>, vector<16xf32>,
      %mul3A_109 = arith.constant 8 : i32
      %mul3A_110 = arith.muli %scan3A_64, %mul3A_109 : i32
      %add3A_111 = arith.constant 4 : i32
      %add3A_112 = arith.addi %mul3A_110, %add3A_111 : i32
      %mul3A_113 = arith.constant 16 : i32
      %mul3A_114 = arith.muli %add3A_112, %mul3A_113 : i32
      %get3A_115 = arith.index_cast %mul3A_114 : i32 to index
      %get3A_116 = tpu.vector_load %arg5[%get3A_115] {strides = array<i32>} : memref<6272xf32, #tpu.memory_space<vmem>>, vector<16xf32>,
      %mul3A_117 = arith.mulf %get3A_116, %div3A_57 : vector<16xf32>
      %swap3A_118 = arith.index_cast %mul3A_114 : i32 to index
      %swap3A_119 = tpu.vector_load %arg5[%swap3A_118] {strides = array<i32>} : memref<6272xf32, #tpu.memory_space<vmem>>, vector<16xf32>,
      tpu.vector_store %arg5[%swap3A_118], %mul3A_117 {strides = array<i32>} : memref<6272xf32, #tpu.memory_space<vmem>>, vector<16xf32>,
      %mul3A_120 = arith.constant 8 : i32
      %mul3A_121 = arith.muli %scan3A_64, %mul3A_120 : i32
      %add3A_122 = arith.constant 5 : i32
      %add3A_123 = arith.addi %mul3A_121, %add3A_122 : i32
      %mul3A_124 = arith.constant 16 : i32
      %mul3A_125 = arith.muli %add3A_123, %mul3A_124 : i32
      %get3A_126 = arith.index_cast %mul3A_125 : i32 to index
      %get3A_127 = tpu.vector_load %arg5[%get3A_126] {strides = array<i32>} : memref<6272xf32, #tpu.memory_space<vmem>>, vector<16xf32>,
      %mul3A_128 = arith.mulf %get3A_127, %div3A_57 : vector<16xf32>
      %swap3A_129 = arith.index_cast %mul3A_125 : i32 to index
      %swap3A_130 = tpu.vector_load %arg5[%swap3A_129] {strides = array<i32>} : memref<6272xf32, #tpu.memory_space<vmem>>, vector<16xf32>,
      tpu.vector_store %arg5[%swap3A_129], %mul3A_128 {strides = array<i32>} : memref<6272xf32, #tpu.memory_space<vmem>>, vector<16xf32>,
      %mul3A_131 = arith.constant 8 : i32
      %mul3A_132 = arith.muli %scan3A_64, %mul3A_131 : i32
      %add3A_133 = arith.constant 6 : i32
      %add3A_134 = arith.addi %mul3A_132, %add3A_133 : i32
      %mul3A_135 = arith.constant 16 : i32
      %mul3A_136 = arith.muli %add3A_134, %mul3A_135 : i32
      %get3A_137 = arith.index_cast %mul3A_136 : i32 to index
      %get3A_138 = tpu.vector_load %arg5[%get3A_137] {strides = array<i32>} : memref<6272xf32, #tpu.memory_space<vmem>>, vector<16xf32>,
      %mul3A_139 = arith.mulf %get3A_138, %div3A_57 : vector<16xf32>
      %swap3A_140 = arith.index_cast %mul3A_136 : i32 to index
      %swap3A_141 = tpu.vector_load %arg5[%swap3A_140] {strides = array<i32>} : memref<6272xf32, #tpu.memory_space<vmem>>, vector<16xf32>,
      tpu.vector_store %arg5[%swap3A_140], %mul3A_139 {strides = array<i32>} : memref<6272xf32, #tpu.memory_space<vmem>>, vector<16xf32>,
      %mul3A_142 = arith.constant 8 : i32
      %mul3A_143 = arith.muli %scan3A_64, %mul3A_142 : i32
      %add3A_144 = arith.constant 7 : i32
      %add3A_145 = arith.addi %mul3A_143, %add3A_144 : i32
      %mul3A_146 = arith.constant 16 : i32
      %mul3A_147 = arith.muli %add3A_145, %mul3A_146 : i32
      %get3A_148 = arith.index_cast %mul3A_147 : i32 to index
      %get3A_149 = tpu.vector_load %arg5[%get3A_148] {strides = array<i32>} : memref<6272xf32, #tpu.memory_space<vmem>>, vector<16xf32>,
      %mul3A_150 = arith.mulf %get3A_149, %div3A_57 : vector<16xf32>
      %swap3A_151 = arith.index_cast %mul3A_147 : i32 to index
      %swap3A_152 = tpu.vector_load %arg5[%swap3A_151] {strides = array<i32>} : memref<6272xf32, #tpu.memory_space<vmem>>, vector<16xf32>,
      tpu.vector_store %arg5[%swap3A_151], %mul3A_150 {strides = array<i32>} : memref<6272xf32, #tpu.memory_space<vmem>>, vector<16xf32>,
    }
    %scan3A_63 = arith.constant 49 : i32
    "tpu.region"() ({
      %run_scoped3A = tpu.sem_alloc : memref<!tpu.dma_semaphore, #tpu.memory_space<semaphore_mem>>
      %dma_start3A_64 = tpu.memref_slice %arg4[%mul3A_0] : memref<100352xf32, #tpu.memory_space<hbm>> -> memref<6272xf32, #tpu.memory_space<hbm>>
      %dma_start3A_65 = tpu.memref_slice %arg4[%mul3A_0] : memref<100352xf32, #tpu.memory_space<hbm>> -> memref<6272xf32, #tpu.memory_space<hbm>>
      tpu.enqueue_dma source(%arg5 : memref<6272xf32, #tpu.memory_space<vmem>>) target(%dma_start3A_65 : memref<6272xf32, #tpu.memory_space<hbm>>) target_semaphore(%run_scoped3A : memref<!tpu.dma_semaphore, #tpu.memory_space<semaphore_mem>>)
      %dma_wait3A_66 = tpu.memref_slice %arg4[%mul3A_0] : memref<100352xf32, #tpu.memory_space<hbm>> -> memref<6272xf32, #tpu.memory_space<hbm>>
      %dma_wait3A_67 = tpu.memref_slice %arg4[%mul3A_0] : memref<100352xf32, #tpu.memory_space<hbm>> -> memref<6272xf32, #tpu.memory_space<hbm>>
      tpu.wait_dma2 semaphore(%run_scoped3A : memref<!tpu.dma_semaphore, #tpu.memory_space<semaphore_mem>>) src(%arg5 : memref<6272xf32, #tpu.memory_space<vmem>>) dst(%dma_wait3A_67 : memref<6272xf32, #tpu.memory_space<hbm>>)
      tpu.yield
    }) : () -> ()
    return
  }
}

module attributes {stable_mosaic.version = 14 : i64} {
  func.func @_blend_kernel(%arg0: i32, %arg1: memref<1xf32, #tpu.memory_space<smem>>, %arg2: memref<1x1x4000xf32, #tpu.memory_space<vmem>>, %arg3: memref<4000x1024xf32, #tpu.memory_space<vmem>>, %arg4: memref<4000x1024xf32, #tpu.memory_space<vmem>>) attributes {dimension_semantics = [#tpu.dimension_semantics<arbitrary>], iteration_bounds = array<i64: 25>, scalar_prefetch = 0 : i64, scratch_operands = 0 : i64, tpu.core_type = #tpu.core_type<tc>, window_params = [{transform_indices = @transform_0, window_bounds = array<i64: 1>}, {transform_indices = @transform_1, window_bounds = array<i64: 1, 1, 4000>}, {transform_indices = @transform_2, window_bounds = array<i64: 4000, 1024>}, {transform_indices = @transform_3, window_bounds = array<i64: 4000, 1024>}]} {
    %get3A = arith.constant 0 : index
    %get3A_0 = memref.load %arg1[%get3A] : memref<1xf32, #tpu.memory_space<smem>>
    %logistic3A = arith.negf %get3A_0 : f32
    %logistic3A_1 = math.exp %logistic3A : f32
    %logistic3A_2 = arith.constant 1.000000e+00 : f32
    %logistic3A_3 = arith.addf %logistic3A_2, %logistic3A_1 : f32
    %logistic3A_4 = arith.divf %logistic3A_2, %logistic3A_3 : f32
    %get3A_5 = arith.constant 0 : index
    %get3A_6 = arith.constant 0 : index
    %get3A_7 = arith.constant 0 : index
    %get3A_8 = vector.load %arg2[%get3A_5, %get3A_6, %get3A_7] : memref<1x1x4000xf32, #tpu.memory_space<vmem>>, vector<1x1x4000xf32>
    %get3A_9 = vector.shape_cast %get3A_8 : vector<1x1x4000xf32> to vector<4000xf32>
    %reshape3A = vector.shape_cast %get3A_9 : vector<4000xf32> to vector<4000x1xf32>
    %get3A_10 = arith.constant 0 : index
    %get3A_11 = arith.constant 0 : index
    %get3A_12 = vector.load %arg3[%get3A_10, %get3A_11] : memref<4000x1024xf32, #tpu.memory_space<vmem>>, vector<4000x1024xf32>
    %mul3A = vector.broadcast %logistic3A_4 : f32 to vector<4000x1024xf32>
    %mul3A_13 = arith.mulf %mul3A, %get3A_12 : vector<4000x1024xf32>
    %add3A = vector.broadcast %reshape3A : vector<4000x1xf32> to vector<4000x1024xf32>
    %add3A_14 = arith.addf %mul3A_13, %add3A : vector<4000x1024xf32>
    %swap3A = arith.constant 0 : index
    %swap3A_15 = arith.constant 0 : index
    %swap3A_16 = vector.load %arg4[%swap3A, %swap3A_15] : memref<4000x1024xf32, #tpu.memory_space<vmem>>, vector<4000x1024xf32>
    tpu.vector_store %arg4[%swap3A, %swap3A_15], %add3A_14 {strides = array<i32>} : memref<4000x1024xf32, #tpu.memory_space<vmem>>, vector<4000x1024xf32>,
    return
  }
  func.func @transform_0(%arg0: i32) -> i32 {
    %c0_i32 = arith.constant 0 : i32
    %c0_i32_0 = arith.constant 0 : i32
    return %c0_i32 : i32
  }
  func.func @transform_1(%arg0: i32) -> (i32, i32, i32) {
    %c0_i32 = arith.constant 0 : i32
    %c0_i32_0 = arith.constant 0 : i32
    %c0_i32_1 = arith.constant 0 : i32
    return %arg0, %c0_i32, %c0_i32_0 : i32, i32, i32
  }
  func.func @transform_2(%arg0: i32) -> (i32, i32) {
    %c0_i32 = arith.constant 0 : i32
    %c0_i32_0 = arith.constant 0 : i32
    return %arg0, %c0_i32 : i32, i32
  }
  func.func @transform_3(%arg0: i32) -> (i32, i32) {
    %c0_i32 = arith.constant 0 : i32
    %c0_i32_0 = arith.constant 0 : i32
    return %arg0, %c0_i32 : i32, i32
  }
}

</mosaic_0001>

<sc_bundles>
// kernel: kernel.4.cloned.1.call-start
scs
__scs_entry_jumppad:
0x0: {  	(pc) =	sbr.rel $0x88, $3  }
0x1: {  	(tag) =	ssettag $0x0;
	lr =	simm.s32 $0x1  }
0x2: {  	[smem:$0x3F9E] =	sst lr;
	_ =	strace $0xD0000000  }
0x3: {  	_ = 	snop  }
0x4: {  	_ = 	snop  }
0x5: {  	_ = 	snop  }
0x6: {  	_ = 	snop  }
0x7: {  	_ = 	snop  }
__scs_overlays_trampoline_lowered:
0x8: {  	[smem:$0x3FAD] =	sst s0  }
0x9: {  	[smem:$0x3FAE] =	sst s1  }
0xa: {  	[smem:$0x3FAF] =	sst s2  }
0xb: {  	[smem:$0x3FB0] =	sst s3  }
0xc: {  	[smem:$0x3FB1] =	sst s4  }
0xd: {  	[smem:$0x3FB2] =	sst s5  }
0xe: {  	[smem:$0x3FB3] =	sst s6  }
0xf: {  	[smem:$0x3FB4] =	sst s7  }
0x10: {  	[smem:$0x3FB5] =	sst s8  }
0x11: {  	[smem:$0x3FB6] =	sst s9;
	s0 =	simm.s32 @!p0 $0x0  }
0x12: {  	s1 =	sld [smem:$0x3F9C];
	s0 =	simm.s32 @p0 $0x1  }
0x13: {  	[smem:$0x3FB7] =	sst s0;
	s0 =	simm.s32 @!p1 $0x0  }
0x14: {  	s2 =	sld [smem:$0x3F9B];
	s0 =	simm.s32 @p1 $0x1  }
0x15: {  	[smem:$0x3FB8] =	sst s0;
	s0 =	simm.s32 @!p2 $0x0  }
0x16: {  	s3 =	sld [smem:$0x3FDB];
	s0 =	simm.s32 @p2 $0x1  }
0x17: {  	s4 =	simm.s32 $0x1BF5;
	[smem:$0x3FBA] =	sst s0  }
0x18: {  	s0 =	sld [smem:$0x3F9D];
	_ =	swait.ge [sflag:s4], $0x0  }
0x19: {  	s7 =	sld [smem:$0x3F9E]  }
0x1a: {  	s8 =	sadd.s32 $0xFFFFE003, lr  }
0x1b: {  	s9 =	sadd.s32 $0xFFFFFEF7, lr;
	s5 =	simm.s32 $0xFFFFFFFF;
	p2 =	slt.u32 s8, $0xFFFFF086  }
0x1c: {  	p1 =	slt.u32 s9, $0xF7A;
	s5 =	simm.s32 @!p2 $0x0  }
0x1d: {  	s5 =	simm.s32 @p1 $0x1;
	p0 =	seq.s32 s7, s2  }
0x1e: {  	s7 =	smul.u32 @!p0 $0xF7A, s2;
	p2 =	seq.s32 @!p0 s5, $0x0  }
0x1f: {  	s9 =	smul.u32 $0xF7A, s1;
	s8 =	simm.s32 @!p0 $0x1BF5;
	p2 =	por !p2, p0  }
0x20: {  	[sflag:s8] =	ssyncset.s32 @!p0 $0xFFFFF086;
	s6 =	sadd.s32 @!p0 s3, s7;
	s7 =	simm.s32 @!p0 $0x108  }
0x21: {  	s3 =	sadd.s32 s3, s9;
	s6 =	sadd.s32 @!p0 $0x88, s6;
	s7 =	simm.s32 @p2 $0x1082  }
0x22: {  	[simem:s7], [sflag:s8] =	dma.local @!p0 [hbm:s6], $0xF7A  }
0x23: {  	s9 =	sor.u32 $0xD0000000, s2;
	s6 =	simm.s32 $0x108;
	_ =	swait.ge @!p0 [sflag:s8], $0x0  }
0x24: {  	s3 =	sadd.s32 $0x88, s3;
	s6 =	simm.s32 @!p1 $0x1082;
	[sflag:s4] =	ssyncset.s32 $0xFFFFF086  }
0x25: {  	[simem:s6], [sflag:s4] =	dma.local [hbm:s3], $0xF7A  }
0x26: {  	[smem:$0x3F9E] =	sst s1;
	(tag) =	ssettag s2;
	_ =	strace s9  }
0x27: {  	s1 =	sld [smem:$0x3FAE]  }
0x28: {  	s2 =	sld [smem:$0x3FAF]  }
0x29: {  	s4 =	sld [smem:$0x3FB1]  }
0x2a: {  	p0 =	seq.s32 s5, $0x0;
	s5 =	sld [smem:$0x3FB2]  }
0x2b: {  	s6 =	sld [smem:$0x3FB3]  }
0x2c: {  	s7 =	sld [smem:$0x3FB4]  }
0x2d: {  	s3 =	simm.s32 $0x108;
	s8 =	sld [smem:$0x3FB5]  }
0x2e: {  	s3 =	simm.s32 @!p0 $0x1082;
	s9 =	sld [smem:$0x3FB6]  }
0x2f: {  	lr =	sadd.s32 s0, s3;
	s0 =	sld [smem:$0x3FAD]  }
0x30: {  	s3 =	sld [smem:$0x3FB0]  }
0x31: {  	[smem:$0x3FB9] =	sst s10  }
0x32: {  	s10 =	sld [smem:$0x3FB7];
	_ =	sdelay $0x3  }
0x33: {  	p0 =	seq.s32 s10, $0x1;
	s10 =	sld [smem:$0x3FB9];
	_ =	sdelay $0x3  }
0x34: {  	[smem:$0x3FB9] =	sst s10  }
0x35: {  	s10 =	sld [smem:$0x3FB8];
	_ =	sdelay $0x3  }
0x36: {  	p1 =	seq.s32 s10, $0x1;
	s10 =	sld [smem:$0x3FB9];
	_ =	sdelay $0x3  }
0x37: {  	[smem:$0x3FB9] =	sst s10  }
0x38: {  	s10 =	sld [smem:$0x3FBA]  }
0x39: {  	_ = 	snop;
	(pc) =	sbr.ind lr, $3  }
0x3a: {  	_ = 	snop  }
0x3b: {  	_ = 	snop  }
0x3c: {  	p2 =	seq.s32 s10, $0x1;
	s10 =	sld [smem:$0x3FB9]  }
0x3d: {  	_ =	shalt  }
0x3e: {  	_ =	shalt  }
0x3f: {  	_ =	shalt  }
0x40: {  	_ =	shalt  }
0x41: {  	_ =	shalt  }
0x42: {  	_ =	shalt  }
0x43: {  	_ =	shalt  }
0x44: {  	_ =	shalt  }
0x45: {  	_ =	shalt  }
0x46: {  	_ =	shalt  }
0x47: {  	_ =	shalt  }
0x48: {  	_ =	shalt  }
0x49: {  	_ =	shalt  }
0x4a: {  	_ =	shalt  }
0x4b: {  	_ =	shalt  }
0x4c: {  	_ =	shalt  }
0x4d: {  	_ =	shalt  }
0x4e: {  	_ =	shalt  }
0x4f: {  	_ =	shalt  }
0x50: {  	_ =	shalt  }
0x51: {  	_ =	shalt  }
0x52: {  	_ =	shalt  }
0x53: {  	_ =	shalt  }
0x54: {  	_ =	shalt  }
0x55: {  	_ =	shalt  }
0x56: {  	_ =	shalt  }
0x57: {  	_ =	shalt  }
0x58: {  	_ =	shalt  }
0x59: {  	_ =	shalt  }
0x5a: {  	_ =	shalt  }
0x5b: {  	_ =	shalt  }
0x5c: {  	_ =	shalt  }
0x5d: {  	_ =	shalt  }
0x5e: {  	_ =	shalt  }
0x5f: {  	_ =	shalt  }
0x60: {  	_ =	shalt  }
0x61: {  	_ =	shalt  }
0x62: {  	_ =	shalt  }
0x63: {  	_ =	shalt  }
0x64: {  	_ =	shalt  }
0x65: {  	_ =	shalt  }
0x66: {  	_ =	shalt  }
0x67: {  	_ =	shalt  }
0x68: {  	_ =	shalt  }
0x69: {  	_ =	shalt  }
0x6a: {  	_ =	shalt  }
0x6b: {  	_ =	shalt  }
0x6c: {  	_ =	shalt  }
0x6d: {  	_ =	shalt  }
0x6e: {  	_ =	shalt  }
0x6f: {  	_ =	shalt  }
0x70: {  	_ =	shalt  }
0x71: {  	_ =	shalt  }
0x72: {  	_ =	shalt  }
0x73: {  	_ =	shalt  }
0x74: {  	_ =	shalt  }
0x75: {  	_ =	shalt  }
0x76: {  	_ =	shalt  }
0x77: {  	_ =	shalt  }
0x78: {  	_ =	shalt  }
0x79: {  	_ =	shalt  }
0x7a: {  	_ =	shalt  }
0x7b: {  	_ =	shalt  }
0x7c: {  	_ =	shalt  }
0x7d: {  	_ =	shalt  }
0x7e: {  	_ =	shalt  }
0x7f: {  	_ =	shalt  }
0x80: {  	_ =	shalt  }
0x81: {  	_ =	shalt  }
0x82: {  	_ =	shalt  }
0x83: {  	_ =	shalt  }
0x84: {  	_ =	shalt  }
0x85: {  	_ =	shalt  }
0x86: {  	_ =	shalt  }
0x87: {  	_ =	shalt  }
.Lfunc_end0:
.L_simem_size_0:
called_computation_lowered:
.L_overlay_start_0:
0x88: {  	s0 =	sld [smem:$0x3FD9]  }
0x89: {  	s1 =	sld [smem:$0x3FFE];
	_ =	sdelay $0x3  }
0x8a: {  	s0 =	sadd.s32 s1, s0  }
0x8b: {  	[smem:$0x3FC5] =	sst s0  }
0x8c: {  	_ = 	snop  }
0x8d: {  	s0 =	sld [smem:$0x3FD0];
	(tm) =	ssettm $0x1  }
0x8e: {  	s16 =	sld [smem:$0x3FFB];
	_ =	sdelay $0x3  }
0x8f: {  	_ =	strace s16  }
0x90: {  	s1 =	sld [smem:$0x3FFC];
	_ =	sdelay $0x3  }
0x91: {  	_ =	strace s1  }
0x92: {  	s1 =	sld [smem:$0x3FFD];
	_ =	sdelay $0x3  }
0x93: {  	_ =	strace s1  }
0x94: {  	_ =	strace $0x8FFFFFFF  }
0x95: {  	s17 =	sld [smem:$0x3FDB];
	_ =	sdelay $0x1  }
0x96: {  	s2 =	simm.s32 $_scs_section_size  }
0x97: {  	s3 =	simm.s32 $_size__tile_overlayer_lowered;
	s4 =	simm.s32 $_tile_overlayer_lowered  }
0x98: {  	s20 =	simm.s32 $0x1BFF;
	s19 =	sshll.u32 s4, $0x1;
	s1 =	sadd.s32 s2, s17  }
0x99: {  	s5 =	simm.s32 $0x0;
	s18 =	sshll.u32 s3, $0x1;
	s3 =	sadd.s32 s19, s1  }
0x9a: {  	[timem:s5], [sflag:s20] =	dma.local [hbm:s3], s18  }
0x9b: {  	_ =	swait.ge [sflag:s20], s18  }
0x9c: {  	s2 =	ssub.s32 $0x0, s18;
	[sflag:s20] =	ssyncset.done $0x0  }
0x9d: {  	[sflag:s20] =	ssyncadd.s32 s2;
	_ =	sdelay $0x1  }
0x9e: {  	s21 =	simm.s32 $0x1B8B  }
0x9f: {  	_ =	swait.ge [sflag:s21], $0x1  }
0xa0: {  	[sflag:s21] =	ssyncset.done $0x0  }
0xa1: {  	s23 =	simm.s32 $0x1B8E;
	s22 =	sld [smem:$0x3FFE];
	[sflag:s21] =	ssyncadd.s32 $0xFFFFFFFF  }
0xa2: {  	s24 =	simm.s32 $execute0_lowered;
	[smem:$0x3FD2] =	sst s23  }
0xa3: {  	s3 =	sshll.u32 s24, $0x1;
	_ =	strace $0x80000046;
	[dreg:$0x1] =	wrdreg $0xFFFFFFFF  }
0xa4: {  	s25 =	simm.s32 $_size_execute0_lowered;
	s1 =	sadd.s32 s1, s3;
	[dreg:$0x0] =	wrdreg $0x0  }
0xa5: {  	s3 =	sshll.u32 s25, $0x1;
	[dreg:$0x2] =	wrdreg s1  }
0xa6: {  	[dreg:$0x3] =	wrdreg s3  }
0xa7: {  	[dreg:$0x4] =	wrdreg $0xC0  }
0xa8: {  	_ =	task [dreg:s5], $0x5FFFF  }
0xa9: {  	[dreg:$0x1] =	wrdreg $0xFFFFFFFF  }
0xaa: {  	[dreg:$0x0] =	wrdreg $0x60  }
0xab: {  	[dreg:$0x2] =	wrdreg s22  }
0xac: {  	[dreg:$0x3] =	wrdreg s0  }
0xad: {  	[dreg:$0x4] =	wrdreg $0x1A000  }
0xae: {  	[dreg:$0x5] =	wrdreg $0x9  }
0xaf: {  	_ =	task.clear_ibuf [dreg:s5], $0x6FFFF;
	_ =	strace $0x90000046  }
0xb0: {  	s26 =	simm.s32 $0x9;
	_ =	strace $0x80000048  }
0xb1: {  	_ =	swait.ge [sflag:s26], $0x1  }
0xb2: {  	[sflag:s26] =	ssyncadd.s32 $0xFFFFFFFF  }
0xb3: {  	_ =	strace $0x90000048  }
0xb4: {  	_ =	sfence  }
0xb5: {  	s28 =	sld [smem:$0x0];
	_ =	sdelay $0x1  }
0xb6: {  	s29 =	srdreg.scid  }
0xb7: {  	s30 =	sshll.u32 s29, $0xD;
	s31 =	sshrl.u32 s29, $0x2  }
0xb8: {  	s2 =	sand.u32 $0x4000, s30;
	s1 =	sand.u32 $0x1, s29;
	s0 =	sadd.s32 s31, s28  }
0xb9: {  	s1 =	sor.u32 s2, s1;
	s0 =	sshll.u32 s0, $0x11  }
0xba: {  	s0 =	sor.u32 s0, s1  }
0xbb: {  	s0 =	sadd.s32 $0x8F2B, s0  }
0xbc: {  	[sflag:s0] =	ssyncadd.remote.s32 $0x1  }
0xbd: {  	_ =	sfence.sel $0xFFFF  }
0xbe: {  	[dreg:$0x0] =	wrdreg $0xFFFFFFFF;
	(pc) =	sbr.abs _section_cstart, $3  }
0xbf: {  	[dreg:$0x1] =	wrdreg $0xFFFFFFFF  }
0xc0: {  	_ =	task.clear_ibuf [dreg:s5], $0x2FFFF;
	_ =	strace $0x9FFFFFFF  }
0xc1: {  	(tm) =	ssettm $0x7FFFFFFF  }
tec
execute0_lowered:
.L_overlay_start_1:
0x0: {  	(tag) =	ssettag $0x1  }
0x1: {  	s3 =	rddreg [dreg:$0x0]  }
0x2: {  	s5 =	rddreg [dreg:$0x1];
	s1 =	stileid.u32  }
0x3: {  	s4 =	rddreg [dreg:$0x2];
	s6 =	simm.s32 $0x0;
	s2 =	smul.u32 $0x310, s1  }
0x4: {  	[smem:$0x7FF] =	sst s6  }
0x5: {  	s0 =	rddreg [dreg:$0x3];
	_ =	strace $0x80000047;
	s5 =	sadd.s32 s5, s2  }
0x6: {  	[tilespmem:s6], [sflag:$0x1] =	stream.linear.gather [hbm4b:s5+s6], $0x1880, $0x38;
	[tilespmem:$0x1A10] =	vst v63  }
0x7: {  	s7 =	simm.s32 $0x1880;
	s29 =	simm.s32 $0x2;
	s28 =	sadd.s32 $0x200, s3  }
0x8: {  	[tilespmem:s7], [sflag:$0x2] =	stream.linear.gather [hbm4b:s28+s6], $0x80, $0x38;
	[tilespmem:$0x1A10] =	vst v63  }
0x9: {  	_ =	swait.ge [sflag:s29], $0x80  }
0xa: {  	[sflag:s29] =	ssyncset.done $0x0  }
0xb: {  	s30 =	simm.s32 $0x1;
	[sflag:s29] =	ssyncadd.s32 $0xFFFFFF80  }
0xc: {  	v0 =	vld [tilespmem:$0x1880];
	_ =	swait.ge [sflag:s30], $0x1880  }
0xd: {  	[sflag:s30] =	ssyncset.done $0x0  }
0xe: {  	s31 =	simm.s32 $0x0;
	[sflag:s30] =	ssyncadd.s32 $0xFFFFE780  }
0xf: {  	v1 =	vld [tilespmem:s31+$0x0]  }
0x10: {  	v2 =	vld [tilespmem:s31+$0x10]  }
0x11: {  	v6 =	vld [tilespmem:s31+$0x20]  }
0x12: {  	v8 =	vld [tilespmem:s31+$0x30]  }
0x13: {  	v9 =	vld [tilespmem:s31+$0x40]  }
0x14: {  	v10 =	vld [tilespmem:s31+$0x50]  }
0x15: {  	v11 =	vld [tilespmem:s31+$0x60]  }
0x16: {  	s5 =	simm.s32 $0x80;
	v12 =	vld [tilespmem:s31+$0x70]  }
0x17: {  	v5 =	vld [tilespmem:s5+$0x0]  }
0x18: {  	v7 =	vld [tilespmem:s5+$0x10]  }
0x19: {  	v3 =	vld [tilespmem:s5+$0x20]  }
0x1a: {  	v4 =	vld [tilespmem:s5+$0x30];
	v2 =	vmax.f32 v1, v2  }
0x1b: {  	v1 =	vld [tilespmem:s5+$0x40];
	v8 =	vmax.f32 v6, v8;
	v9 =	vmax.f32 v9, v10;
	v10 =	vmax.f32 v11, v12  }
0x1c: {  	v6 =	vld [tilespmem:s5+$0x50];
	v11 =	vmax.f32 v2, v8;
	v9 =	vmax.f32 v9, v10  }
0x1d: {  	s3 =	sadd.s32 $0x400, s3;
	s6 =	simm.s32 $0x400;
	v2 =	vimm.f32 $-Inf;
	v8 =	vld [tilespmem:s5+$0x60];
	v9 =	vmax.f32 v11, v9  }
.LBB2_1:
0x1e: {  	p0 =	sne.s32 s6, $0x6000;
	v10 =	vld [tilespmem:s5+$0x70];
	s5 =	sshra.s32 s6, $0x2;
	v2 =	vmax.f32 v2, v9;
	v9 =	vmov v3  }
0x1f: {  	v11 =	vld [tilespmem:s5+$0x0];
	v12 =	vmov v4  }
0x20: {  	v13 =	vld [tilespmem:s5+$0x10]  }
.Ltmp0:
0x21: {  	v3 =	vld [tilespmem:s5+$0x20];
	(pc) =	sbr.rel @p0 .LBB2_1-.Ltmp0, $4  }
0x22: {  	v14 =	vmax.f32 v5, v7;
	v4 =	vld [tilespmem:s5+$0x30]  }
0x23: {  	v12 =	vmax.f32 v9, v12;
	v9 =	vmax.f32 v1, v6;
	v1 =	vld [tilespmem:s5+$0x40];
	v8 =	vmax.f32 v8, v10  }
0x24: {  	v10 =	vmax.f32 v14, v12;
	v6 =	vld [tilespmem:s5+$0x50];
	v9 =	vmax.f32 v9, v8;
	v5 =	vmov v11  }
0x25: {  	s6 =	sadd.s32 $0x200, s6;
	v8 =	vld [tilespmem:s5+$0x60];
	v9 =	vmax.f32 v10, v9;
	v7 =	vmov v13  }
0x26: {  	v10 =	vld [tilespmem:s5+$0x70];
	_ =	sdelay $0x3  }
0x27: {  	v5 =	vmax.f32 v5, v7  }
0x28: {  	v3 =	vmax.f32 v3, v4;
	v1 =	vmax.f32 v1, v6;
	v4 =	vmax.f32 v8, v10  }
0x29: {  	v3 =	vmax.f32 v5, v3;
	v1 =	vmax.f32 v1, v4  }
0x2a: {  	v2 =	vmax.f32 v2, v9;
	v1 =	vmax.f32 v3, v1  }
0x2b: {  	s30 =	sshll.u32 s1, $0x4;
	v1 =	vmax.f32 v2, v1  }
0x2c: {  	s6 =	simm.s32 $0x1880;
	s31 =	simm.s32 $0x2;
	s5 =	sadd.s32 s30, s4;
	[tilespmem:$0x1880] =	vst v1  }
0x2d: {  	[spmem:s5] =	stream.linear.scatter [tilespmem:s6], [sflag:$0x2], $0x10, $0x38;
	[tilespmem:$0x1A10] =	vst v63  }
0x2e: {  	_ =	swait.ge [sflag:s31], $0x10  }
0x2f: {  	[sflag:s31] =	ssyncset.done $0x0  }
0x30: {  	[sflag:s31] =	ssyncadd.s32 $0xFFFFFFF0  }
0x31: {  	s7 =	simm.s32 $0x1900;
	[bflag:$0x0] =	sbarrier.arrive $0xFFFF  }
0x32: {  	[tilespmem:s7], [sflag:$0x2] =	stream.linear.gather [spmem:s4], $0x100, $0x38;
	[tilespmem:$0x1A10] =	vst v63  }
0x33: {  	_ =	swait.ge [sflag:s31], $0x100  }
0x34: {  	[sflag:s31] =	ssyncset.done $0x0  }
0x35: {  	[sflag:s31] =	ssyncadd.s32 $0xFFFFFF00  }
0x36: {  	[bflag:$0x0] =	sbarrier.arrive $0xFFFF  }
0x37: {  	v1 =	vld [tilespmem:$0x1900]  }
0x38: {  	v2 =	vld [tilespmem:$0x1910]  }
0x39: {  	v3 =	vld [tilespmem:$0x1920]  }
0x3a: {  	v4 =	vld [tilespmem:$0x1930]  }
0x3b: {  	v5 =	vld [tilespmem:$0x1940]  }
0x3c: {  	v6 =	vld [tilespmem:$0x1950]  }
0x3d: {  	v1 =	vmax.f32 v1, v2;
	v2 =	vld [tilespmem:$0x1960]  }
0x3e: {  	v1 =	vmax.f32 v1, v3;
	v3 =	vld [tilespmem:$0x1970]  }
0x3f: {  	v1 =	vmax.f32 v1, v4;
	v4 =	vld [tilespmem:$0x1980]  }
0x40: {  	v1 =	vmax.f32 v1, v5;
	v5 =	vld [tilespmem:$0x1990]  }
0x41: {  	v1 =	vmax.f32 v1, v6;
	v6 =	vld [tilespmem:$0x19A0]  }
0x42: {  	v1 =	vmax.f32 v1, v2;
	v2 =	vld [tilespmem:$0x19B0]  }
0x43: {  	v1 =	vmax.f32 v1, v3;
	v3 =	vld [tilespmem:$0x19C0]  }
0x44: {  	v1 =	vmax.f32 v1, v4;
	v4 =	vld [tilespmem:$0x19D0]  }
0x45: {  	v1 =	vmax.f32 v1, v5;
	v5 =	vld [tilespmem:$0x19E0]  }
0x46: {  	v1 =	vmax.f32 v1, v6;
	v6 =	vld [tilespmem:$0x19F0]  }
0x47: {  	v1 =	vmax.f32 v1, v2  }
0x48: {  	v1 =	vmax.f32 v1, v3  }
0x49: {  	v1 =	vmax.f32 v1, v4  }
0x4a: {  	v1 =	vmax.f32 v1, v5  }
0x4b: {  	v1 =	vmax.f32 v1, v6  }
0x4c: {  	(xrf0) =	vmax.scan.msk.f32 $0xffff, v1;
	_ =	sdelay $0x2  }
0x4d: {  	s6 =	simm.s32 $0x0  }
0x4e: {  	v2 =	vld [tilespmem:s6+$0x0];
	_ =	sdelay $0x1  }
0x4f: {  	v3 =	vld [tilespmem:s6+$0x10];
	v1, _, _ =	vpop (xrf0)  }
0x50: {  	v4 =	vld [tilespmem:s6+$0x20];
	v1 =	vbroadcast v1, $0xF;
	_ =	sdelay $0x1  }
0x51: {  	v2 =	vsub.f32 v2, v1;
	_ =	sdelay $0x1  }
0x52: {  	v5 =	vld [tilespmem:s6+$0x30];
	v3 =	vsub.f32 v3, v1;
	v2 =	vmul.f32 $1.442695020e+00, v2  }
0x53: {  	v6 =	vld [tilespmem:s6+$0x40];
	v4 =	vsub.f32 v4, v1  }
0x54: {  	v3 =	vmul.f32 $1.442695020e+00, v3;
	(erf) = vpow2.f32 v2;
	v2 =	vld [tilespmem:s6+$0x50]  }
0x55: {  	v7 =	vld [tilespmem:s6+$0x60];
	v4 =	vmul.f32 $1.442695020e+00, v4  }
0x56: {  	(erf) = vpow2.f32 v3;
	v3 =	vld [tilespmem:s6+$0x70]  }
0x57: {  	(erf) = vpow2.f32 v4;
	v4 =	vsub.f32 v5, v1  }
0x58: {  	v5 =	vsub.f32 v6, v1  }
0x59: {  	v4 =	vmul.f32 $1.442695020e+00, v4;
	v2 =	vsub.f32 v2, v1  }
0x5a: {  	v6 =	vsub.f32 v7, v1;
	v5 =	vmul.f32 $1.442695020e+00, v5  }
0x5b: {  	v3 =	vsub.f32 v3, v1;
	(erf) = vpow2.f32 v4;
	v2 =	vmul.f32 $1.442695020e+00, v2  }
0x5c: {  	v4 =	vmul.f32 $1.442695020e+00, v6;
	(erf) = vpow2.f32 v5  }
0x5d: {  	v3 =	vmul.f32 $1.442695020e+00, v3;
	(erf) = vpow2.f32 v2  }
0x5e: {  	(erf) = vpow2.f32 v4  }
0x5f: {  	v6 =	vpop (erf);
	(erf) = vpow2.f32 v3;
	_ =	sdelay $0x2  }
0x60: {  	s7 =	simm.s32 $0x80;
	[tilespmem:s6+$0x0] =	vst v6;
	v4 =	vpop (erf)  }
0x61: {  	s8 =	simm.s32 $0x400;
	v2 =	vimm.f32 $0.0e+00;
	v5 =	vld [tilespmem:s7+$0x0];
	[tilespmem:s6+$0x10] =	vst v4;
	v3 =	vadd.f32 v4, v6;
	v4 =	vpop (erf)  }
.LBB2_3:
0x62: {  	p0 =	sne.s32 s8, $0x6000;
	v6 =	vld [tilespmem:s7+$0x10];
	[tilespmem:s6+$0x20] =	vst v4;
	v7 =	vpop (erf)  }
0x63: {  	v8 =	vld [tilespmem:s7+$0x20];
	[tilespmem:s6+$0x30] =	vst v7;
	v13 =	vadd.f32 v7, v4;
	v7 =	vpop (erf)  }
0x64: {  	v9 =	vld [tilespmem:s7+$0x30];
	[tilespmem:s6+$0x40] =	vst v7;
	v10 =	vpop (erf)  }
0x65: {  	v11 =	vld [tilespmem:s7+$0x40];
	[tilespmem:s6+$0x50] =	vst v10;
	v7 =	vadd.f32 v10, v7;
	v3 =	vadd.f32 v13, v3;
	v4 =	vpop (erf)  }
0x66: {  	v5 =	vsub.f32 v5, v1;
	v10 =	vld [tilespmem:s7+$0x50];
	[tilespmem:s6+$0x60] =	vst v4;
	v12 =	vpop (erf)  }
0x67: {  	v6 =	vsub.f32 v6, v1;
	v13 =	vld [tilespmem:s7+$0x60];
	[tilespmem:s6+$0x70] =	vst v12;
	v4 =	vadd.f32 v12, v4;
	s6 =	smov.u32 s7  }
0x68: {  	v5 =	vmul.f32 $1.442695020e+00, v5;
	v8 =	vsub.f32 v8, v1;
	v12 =	vld [tilespmem:s6+$0x70]  }
0x69: {  	v6 =	vmul.f32 $1.442695020e+00, v6;
	v9 =	vsub.f32 v9, v1;
	v4 =	vadd.f32 v4, v7  }
0x6a: {  	v7 =	vmul.f32 $1.442695020e+00, v8;
	v8 =	vsub.f32 v11, v1;
	(erf) = vpow2.f32 v5  }
0x6b: {  	v5 =	vmul.f32 $1.442695020e+00, v9;
	v9 =	vsub.f32 v10, v1;
	(erf) = vpow2.f32 v6  }
0x6c: {  	v6 =	vmul.f32 $1.442695020e+00, v8;
	v8 =	vsub.f32 v13, v1;
	(erf) = vpow2.f32 v7  }
0x6d: {  	v7 =	vmul.f32 $1.442695020e+00, v9;
	v9 =	vsub.f32 v12, v1;
	(erf) = vpow2.f32 v5  }
0x6e: {  	v3 =	vadd.f32 v4, v3;
	v5 =	vmul.f32 $1.442695020e+00, v8;
	(erf) = vpow2.f32 v6  }
0x6f: {  	v4 =	vmul.f32 $1.442695020e+00, v9;
	(erf) = vpow2.f32 v7  }
0x70: {  	v2 =	vadd.f32 v3, v2;
	(erf) = vpow2.f32 v5  }
.Ltmp1:
0x71: {  	(erf) = vpow2.f32 v4;
	(pc) =	sbr.rel @p0 .LBB2_3-.Ltmp1, $4  }
0x72: {  	_ = 	snop  }
0x73: {  	v3 =	vpop (erf)  }
0x74: {  	s7 =	sshra.s32 s8, $0x2;
	[tilespmem:s6+$0x0] =	vst v3;
	v4 =	vpop (erf)  }
0x75: {  	s8 =	sadd.s32 $0x200, s8;
	v5 =	vld [tilespmem:s7+$0x0];
	[tilespmem:s6+$0x10] =	vst v4;
	v3 =	vadd.f32 v4, v3;
	v4 =	vpop (erf)  }
0x76: {  	v6 =	vld [tilespmem:s7+$0x10];
	[tilespmem:s6+$0x20] =	vst v4;
	v7 =	vpop (erf)  }
0x77: {  	v8 =	vld [tilespmem:s7+$0x20];
	[tilespmem:s6+$0x30] =	vst v7;
	v9 =	vpop (erf)  }
0x78: {  	v10 =	vld [tilespmem:s7+$0x30];
	[tilespmem:s6+$0x40] =	vst v9;
	v11 =	vpop (erf)  }
0x79: {  	v12 =	vld [tilespmem:s7+$0x40];
	[tilespmem:s6+$0x50] =	vst v11;
	v13 =	vpop (erf)  }
0x7a: {  	v14 =	vld [tilespmem:s7+$0x50];
	[tilespmem:s6+$0x60] =	vst v13;
	v5 =	vsub.f32 v5, v1;
	v15 =	vpop (erf)  }
0x7b: {  	v16 =	vld [tilespmem:s7+$0x60];
	v6 =	vsub.f32 v6, v1;
	[tilespmem:s6+$0x70] =	vst v15  }
0x7c: {  	v5 =	vmul.f32 $1.442695020e+00, v5;
	v8 =	vsub.f32 v8, v1;
	v17 =	vld [tilespmem:s7+$0x70]  }
0x7d: {  	v6 =	vmul.f32 $1.442695020e+00, v6;
	v10 =	vsub.f32 v10, v1  }
0x7e: {  	(erf) = vpow2.f32 v5;
	v5 =	vmul.f32 $1.442695020e+00, v8;
	v8 =	vsub.f32 v12, v1  }
0x7f: {  	(erf) = vpow2.f32 v6;
	v6 =	vmul.f32 $1.442695020e+00, v10;
	v56 =	vsub.f32 v14, v1  }
0x80: {  	(erf) = vpow2.f32 v5;
	v5 =	vmul.f32 $1.442695020e+00, v8;
	v8 =	vsub.f32 v16, v1  }
0x81: {  	v10 =	vmul.f32 $1.442695020e+00, v56;
	v1 =	vsub.f32 v17, v1;
	(erf) = vpow2.f32 v6  }
0x82: {  	v6 =	vmul.f32 $1.442695020e+00, v8;
	(erf) = vpow2.f32 v5  }
0x83: {  	v1 =	vmul.f32 $1.442695020e+00, v1;
	(erf) = vpow2.f32 v10  }
0x84: {  	(erf) = vpow2.f32 v6  }
0x85: {  	(erf) = vpow2.f32 v1;
	_ =	sdelay $0x1  }
0x86: {  	v1 =	vpop (erf)  }
0x87: {  	v5 =	vpop (erf)  }
0x88: {  	v8 =	vadd.f32 v11, v9;
	v6 =	vpop (erf)  }
0x89: {  	v4 =	vadd.f32 v7, v4;
	v7 =	vpop (erf)  }
0x8a: {  	v57 =	vadd.f32 v15, v13;
	v58 =	vpop (erf)  }
0x8b: {  	v59 =	vpop (erf)  }
0x8c: {  	v3 =	vadd.f32 v4, v3;
	v4 =	vadd.f32 v57, v8;
	v8 =	vpop (erf)  }
0x8d: {  	v60 =	vadd.f32 v5, v1;
	v61 =	vadd.f32 v7, v6;
	v62 =	vpop (erf)  }
0x8e: {  	[tilespmem:s7+$0x0] =	vst v1;
	v1 =	vadd.f32 v59, v58;
	v63 =	vadd.f32 v62, v8  }
0x8f: {  	v3 =	vadd.f32 v4, v3;
	[tilespmem:s7+$0x10] =	vst v5  }
0x90: {  	[tilespmem:s7+$0x20] =	vst v6;
	v4 =	vadd.f32 v61, v60;
	v1 =	vadd.f32 v63, v1  }
0x91: {  	[tilespmem:s7+$0x30] =	vst v7  }
0x92: {  	v2 =	vadd.f32 v3, v2;
	[tilespmem:s7+$0x40] =	vst v58;
	v1 =	vadd.f32 v1, v4  }
0x93: {  	[tilespmem:s7+$0x50] =	vst v59  }
0x94: {  	[tilespmem:s7+$0x60] =	vst v8;
	v1 =	vadd.f32 v1, v2  }
0x95: {  	[tilespmem:s7+$0x70] =	vst v62  }
0x96: {  	s29 =	simm.s32 $0x1880;
	s30 =	simm.s32 $0x2;
	[tilespmem:$0x1880] =	vst v1  }
0x97: {  	[spmem:s5] =	stream.linear.scatter [tilespmem:s29], [sflag:$0x2], $0x10, $0x38;
	[tilespmem:$0x1A10] =	vst v63  }
0x98: {  	_ =	swait.ge [sflag:s30], $0x10  }
0x99: {  	[sflag:s30] =	ssyncset.done $0x0  }
0x9a: {  	[sflag:s30] =	ssyncadd.s32 $0xFFFFFFF0  }
0x9b: {  	s31 =	simm.s32 $0x1900;
	[bflag:$0x0] =	sbarrier.arrive $0xFFFF  }
0x9c: {  	[tilespmem:s31], [sflag:$0x2] =	stream.linear.gather [spmem:s4], $0x100, $0x38;
	[tilespmem:$0x1A10] =	vst v63  }
0x9d: {  	_ =	swait.ge [sflag:s30], $0x100  }
0x9e: {  	[sflag:s30] =	ssyncset.done $0x0  }
0x9f: {  	[sflag:s30] =	ssyncadd.s32 $0xFFFFFF00  }
0xa0: {  	v1 =	vld [tilespmem:$0x1900];
	_ =	sdelay $0x1  }
0xa1: {  	v2 =	vld [tilespmem:$0x1910];
	_ =	sdelay $0x1  }
0xa2: {  	v3 =	vld [tilespmem:$0x1920]  }
0xa3: {  	v1 =	vadd.f32 $0.0e+00, v1  }
0xa4: {  	v4 =	vld [tilespmem:$0x1930]  }
0xa5: {  	v1 =	vadd.f32 v2, v1  }
0xa6: {  	v2 =	vld [tilespmem:$0x1940]  }
0xa7: {  	v1 =	vadd.f32 v3, v1  }
0xa8: {  	v3 =	vld [tilespmem:$0x1950]  }
0xa9: {  	v1 =	vadd.f32 v4, v1  }
0xaa: {  	v4 =	vld [tilespmem:$0x1960]  }
0xab: {  	v1 =	vadd.f32 v2, v1  }
0xac: {  	v2 =	vld [tilespmem:$0x1970]  }
0xad: {  	v1 =	vadd.f32 v3, v1  }
0xae: {  	v3 =	vld [tilespmem:$0x1980]  }
0xaf: {  	v1 =	vadd.f32 v4, v1  }
0xb0: {  	v4 =	vld [tilespmem:$0x1990]  }
0xb1: {  	v1 =	vadd.f32 v2, v1  }
0xb2: {  	v2 =	vld [tilespmem:$0x19A0]  }
0xb3: {  	v1 =	vadd.f32 v3, v1  }
0xb4: {  	v3 =	vld [tilespmem:$0x19B0]  }
0xb5: {  	v1 =	vadd.f32 v4, v1  }
0xb6: {  	v4 =	vld [tilespmem:$0x19C0]  }
0xb7: {  	v1 =	vadd.f32 v2, v1  }
0xb8: {  	v2 =	vld [tilespmem:$0x19D0]  }
0xb9: {  	v1 =	vadd.f32 v3, v1  }
0xba: {  	v3 =	vld [tilespmem:$0x19E0]  }
0xbb: {  	v1 =	vadd.f32 v4, v1  }
0xbc: {  	v4 =	vld [tilespmem:$0x19F0]  }
0xbd: {  	v1 =	vadd.f32 v2, v1  }
0xbe: {  	v0 =	vsub.f32 $0.0e+00, v0  }
0xbf: {  	v1 =	vadd.f32 v3, v1  }
0xc0: {  	v0 =	vmul.f32 $1.442695020e+00, v0  }
0xc1: {  	v1 =	vadd.f32 v4, v1  }
0xc2: {  	(erf) = vpow2.f32 v0  }
0xc3: {  	(xrf2) =	vadd.scan.msk.f32 $0xffff, v1;
	_ =	sdelay $0x7  }
0xc4: {  	v0 =	vpop (erf)  }
0xc5: {  	v0 =	vadd.f32 $1.000000000e+00, v0  }
0xc6: {  	v1, _, _ =	vpop (xrf2)  }
0xc7: {  	(erf) = vrcp.f32 v0;
	v0 =	vbroadcast v1, $0xF;
	_ =	sdelay $0x1  }
0xc8: {  	(erf) = vrcp.f32 v0;
	_ =	sdelay $0x5  }
0xc9: {  	s4 =	simm.s32 $0x0  }
0xca: {  	v4 =	vld [tilespmem:s4+$0x0];
	v0 =	vpop (erf)  }
0xcb: {  	v6 =	vld [tilespmem:s4+$0x10];
	v0 =	vsub.f32 $1.000000000e+00, v0  }
0xcc: {  	v5 =	vld [tilespmem:s4+$0x20];
	v2 =	vpop (erf)  }
0xcd: {  	v1 =	vld [tilespmem:s4+$0x30];
	v0 =	vmul.f32 v2, v0  }
0xce: {  	v2 =	vld [tilespmem:s4+$0x40]  }
0xcf: {  	v3 =	vld [tilespmem:s4+$0x50];
	v7 =	vmul.f32 v4, v0  }
0xd0: {  	s5 =	simm.s32 $0x200;
	v6 =	vmul.f32 v6, v0;
	v4 =	vld [tilespmem:s4+$0x60]  }
.LBB2_5:
0xd1: {  	s6 =	sshra.s32 s5, $0x2;
	p0 =	sne.s32 s5, $0x6000;
	[tilespmem:s4+$0x0] =	vst v7;
	v5 =	vmul.f32 v5, v0;
	v7 =	vld [tilespmem:s4+$0x70]  }
0xd2: {  	v8 =	vld [tilespmem:s6+$0x0];
	[tilespmem:s4+$0x10] =	vst v6;
	v1 =	vmul.f32 v1, v0  }
0xd3: {  	v6 =	vld [tilespmem:s6+$0x10];
	[tilespmem:s4+$0x20] =	vst v5;
	v2 =	vmul.f32 v2, v0  }
.Ltmp2:
0xd4: {  	v5 =	vld [tilespmem:s6+$0x20];
	[tilespmem:s4+$0x30] =	vst v1;
	v3 =	vmul.f32 v3, v0;
	(pc) =	sbr.rel @p0 .LBB2_5-.Ltmp2, $4  }
0xd5: {  	v1 =	vld [tilespmem:s6+$0x30];
	[tilespmem:s4+$0x40] =	vst v2;
	v4 =	vmul.f32 v4, v0  }
0xd6: {  	v2 =	vld [tilespmem:s6+$0x40];
	[tilespmem:s4+$0x50] =	vst v3;
	v9 =	vmul.f32 v7, v0  }
0xd7: {  	v7 =	vmul.f32 v8, v0;
	v3 =	vld [tilespmem:s6+$0x50];
	[tilespmem:s4+$0x60] =	vst v4  }
0xd8: {  	s5 =	sadd.s32 $0x200, s5;
	v6 =	vmul.f32 v6, v0;
	v4 =	vld [tilespmem:s6+$0x60];
	[tilespmem:s4+$0x70] =	vst v9;
	s4 =	smov.u32 s6  }
0xd9: {  	[tilespmem:s4+$0x0] =	vst v7;
	v5 =	vmul.f32 v5, v0;
	v60 =	vld [tilespmem:s4+$0x70]  }
0xda: {  	[tilespmem:s4+$0x10] =	vst v6;
	v1 =	vmul.f32 v1, v0  }
0xdb: {  	[tilespmem:s4+$0x20] =	vst v5;
	v2 =	vmul.f32 v2, v0  }
0xdc: {  	[tilespmem:s4+$0x30] =	vst v1;
	v61 =	vmul.f32 v3, v0  }
0xdd: {  	[tilespmem:s4+$0x40] =	vst v2;
	v62 =	vmul.f32 v4, v0  }
0xde: {  	[tilespmem:s4+$0x50] =	vst v61;
	v63 =	vmul.f32 v60, v0  }
0xdf: {  	[tilespmem:s4+$0x60] =	vst v62  }
0xe0: {  	s2 =	sadd.s32 s3, s2;
	s30 =	simm.s32 $0x0;
	s31 =	simm.s32 $0x2;
	[tilespmem:s4+$0x70] =	vst v63  }
0xe1: {  	[hbm4b:s2+s30] =	stream.linear.scatter [tilespmem:s30], [sflag:$0x2], $0x1880, $0x38;
	[tilespmem:$0x1A10] =	vst v63  }
0xe2: {  	_ =	swait.ge [sflag:s31], $0x1880  }
0xe3: {  	[sflag:s31] =	ssyncset.done $0x0  }
0xe4: {  	[sflag:s31] =	ssyncadd.s32 $0xFFFFE780  }
0xe5: {  	_ =	sfence.sel $0x180000  }
0xe6: {  	[bflag:$0x0] =	sbarrier.arrive $0xFFFF  }
0xe7: {  	p0 =	sne.s32 s1, $0x0;
	_ =	strace $0x90000047  }
0xe8: {  	s0 =	sadd.s32 @!p0 $0x100000, s0;
	[bflag:$0x2] =	sbarrier.arrive $0xFFFF  }
0xe9: {  	[sflag:s0] =	ssyncadd.tile.s32 @!p0 $0x1;
	_ =	shalt  }
.Lfunc_end2:
_tile_overlayer_lowered:
.L_overlay_start_2:
0xea: {  	(tag) =	ssettag $0x2  }
0xeb: {  	s0 =	rddreg [dreg:$0x0];
	s2 =	stileid.u32  }
0xec: {  	s1 =	rddreg [dreg:$0x1];
	p0 =	sne.s32 s2, $0x0  }
0xed: {  	s3 =	rddreg [dreg:$0x2];
	[bflag:$0x3] =	sbarrier.arrive $0xFFFF;
	s2 =	simm.s32 @!p0 $0x1C02  }
0xee: {  	[timem:s3], [sflag:s2] =	dma.local @!p0 [hbm:s0], s1  }
0xef: {  	s0 =	simm.s32 @!p0 $0x2  }
0xf0: {  	_ =	swait.ge @!p0 [sflag:s0], s1  }
0xf1: {  	s1 =	ssub.s32 @!p0 $0x0, s1;
	[sflag:s0] =	ssyncset.done @!p0 $0x0  }
0xf2: {  	[sflag:s0] =	ssyncadd.s32 @!p0 s1  }
0xf3: {  	[bflag:$0x3] =	sbarrier.arrive $0xFFFF  }
0xf4: {  	_ =	shalt  }

</sc_bundles>
